<compile_context>
chip_gen: v7x
topology: tpu7x:2x2x1
jax: 0.10.2.dev20260603
libtpu: 0.0.44.dev20260713+nightly
codegen_flags: <defaults>
</compile_context>

<pallas_src>
import functools

import jax
import jax.numpy as jnp
from jax import lax
from jax.experimental import pallas as pl
from jax.experimental.pallas import tpu as pltpu
from jax.experimental.pallas import tpu_sc as plsc

ROWS, COLS = 32768, 4096
LANES = 16
NUM_CORES = 2
NUM_SUBCORES = 16
NW = NUM_CORES * NUM_SUBCORES
ROWS_PER_W = ROWS // NW
R = 2
D = 4
CHUNKS = ROWS_PER_W // R
VPR = COLS // LANES
UNROLL = 8


def _rev_body(in_hbm, out_hbm, *refs):
    ibs, obs = refs[0:D], refs[D:2 * D]
    lss, sss = refs[2 * D:3 * D], refs[3 * D:4 * D]
    wid = lax.axis_index("s") * NUM_CORES + lax.axis_index("c")
    row0 = wid * ROWS_PER_W

    def load(g, b):
        pltpu.make_async_copy(
            in_hbm.at[pl.ds(row0 + g * R, R)], ibs[b], lss[b]).start()

    def wait_load(b):
        pltpu.make_async_copy(
            in_hbm.at[pl.ds(row0, R)], ibs[b], lss[b]).wait()

    def store(g, b):
        pltpu.make_async_copy(
            obs[b], out_hbm.at[pl.ds(row0 + g * R, R)], sss[b]).start()

    def wait_store(b):
        pltpu.make_async_copy(
            obs[b], out_hbm.at[pl.ds(row0, R)], sss[b]).wait()

    def compute(b):
        ibuf, obuf = ibs[b], obs[b]
        for r in range(R):
            @plsc.parallel_loop(0, VPR, 1, unroll=UNROLL)
            def _(k, r=r, ibuf=ibuf, obuf=obuf):
                v = ibuf[r, pl.ds(k * LANES, LANES)]
                obuf[r, pl.ds(COLS - LANES - k * LANES, LANES)] = (
                    lax.rev(v, (0,)))

    for b in range(D):
        load(b, b)

    def outer(gg, carry):
        for b in range(D):
            g = gg * D + b
            if b == 0:
                @pl.when(gg >= 1)
                def _(gg=gg):
                    store(gg * D - 1, D - 1)
            else:
                store(g - 1, b - 1)
            wait_load(b)
            @pl.when(gg >= 1)
            def _(b=b):
                wait_store(b)
            compute(b)
            @pl.when(gg <= CHUNKS // D - 2)
            def _(g=g, b=b):
                load(g + D, b)
        return carry

    lax.fori_loop(0, CHUNKS // D, outer, 0)
    store(CHUNKS - 1, D - 1)
    for b in range(D):
        wait_store(b)


_rev_kernel = functools.partial(
    pl.kernel,
    out_type=jax.ShapeDtypeStruct((ROWS, COLS), jnp.float32),
    mesh=plsc.VectorSubcoreMesh(
        core_axis_name="c", subcore_axis_name="s",
        num_cores=NUM_CORES, num_subcores=NUM_SUBCORES),
    scratch_types=(
        [pltpu.VMEM((R, COLS), jnp.float32)] * (2 * D)
        + [pltpu.SemaphoreType.DMA] * (2 * D)
    ),
)(_rev_body)


def kernel(inputs):
    return _rev_kernel(inputs)

# --- scband reference (transcript-rebuilt; emitter-appended) ---
"""Pipeline reference for scband-shuffling-layer-7567732376123 (READ-ONLY COPY).

The authoritative reference and input builder live on the scoring server;
editing this copy changes nothing except your own understanding.
"""

import jax, jax.numpy as jnp
import numpy as np


def setup_inputs(seed: int = 0) -> dict:
    key = jax.random.key(seed)
    inputs = jax.random.normal(key, (32768, 4096), dtype=jnp.float32)
    return {"inputs": inputs}


def reference(inputs):
    # Faithful translation of ShufflingLayer.call:
    #   transpose -> gather reversed indices along axis 0 -> transpose back
    d = inputs.shape[-1]
    idxs = jnp.arange(d - 1, -1, -1)  # list(range(d))[::-1]
    x_t = jnp.transpose(inputs)
    gathered = jnp.take(x_t, idxs, axis=0)
    out = jnp.transpose(gathered)
    return out

if __name__ == "__main__":
    import jax
    _d = setup_inputs()
    print(jax.jit(kernel)(*tuple(_d.values())))

</pallas_src>

<mosaic_0001>
#map = affine_map<(d0, d1) -> (0, 0)>
module attributes {stable_mosaic.version = 14 : i64} {
  func.func @_rev_body(%arg0: i32, %arg1: i32, %arg2: memref<32768x4096xf32, #tpu.memory_space<hbm>>, %arg3: memref<32768x4096xf32, #tpu.memory_space<hbm>>, %arg4: memref<2x4096xf32, #tpu.memory_space<vmem>>, %arg5: memref<2x4096xf32, #tpu.memory_space<vmem>>, %arg6: memref<2x4096xf32, #tpu.memory_space<vmem>>, %arg7: memref<2x4096xf32, #tpu.memory_space<vmem>>, %arg8: memref<2x4096xf32, #tpu.memory_space<vmem>>, %arg9: memref<2x4096xf32, #tpu.memory_space<vmem>>, %arg10: memref<2x4096xf32, #tpu.memory_space<vmem>>, %arg11: memref<2x4096xf32, #tpu.memory_space<vmem>>, %arg12: memref<!tpu.dma_semaphore, #tpu.memory_space<semaphore_mem>>, %arg13: memref<!tpu.dma_semaphore, #tpu.memory_space<semaphore_mem>>, %arg14: memref<!tpu.dma_semaphore, #tpu.memory_space<semaphore_mem>>, %arg15: memref<!tpu.dma_semaphore, #tpu.memory_space<semaphore_mem>>, %arg16: memref<!tpu.dma_semaphore, #tpu.memory_space<semaphore_mem>>, %arg17: memref<!tpu.dma_semaphore, #tpu.memory_space<semaphore_mem>>, %arg18: memref<!tpu.dma_semaphore, #tpu.memory_space<semaphore_mem>>, %arg19: memref<!tpu.dma_semaphore, #tpu.memory_space<semaphore_mem>>) attributes {dimension_semantics = [#tpu.dimension_semantics<core_parallel>, #tpu.dimension_semantics<subcore_parallel>], iteration_bounds = array<i64: 2, 16>, scalar_prefetch = 0 : i64, scratch_operands = 16 : i64, tpu.core_type = #tpu.core_type<sc_vector_subcore>, window_params = [{transform_indices = #map}, {transform_indices = #map}]} {
    %mul3A = arith.constant 2 : i32
    %mul3A_0 = arith.muli %arg1, %mul3A : i32
    %add3A = arith.addi %mul3A_0, %arg0 : i32
    %mul3A_1 = arith.constant 1024 : i32
    %mul3A_2 = arith.muli %add3A, %mul3A_1 : i32
    %add3A_3 = arith.constant 0 : i32
    %add3A_4 = arith.addi %mul3A_2, %add3A_3 : i32
    %dma_start3A = arith.constant 0 : i32
    %dma_start3A_5 = tpu.memref_slice %arg2[%add3A_4, %dma_start3A] : memref<32768x4096xf32, #tpu.memory_space<hbm>> -> memref<2x4096xf32, #tpu.memory_space<hbm>>
    %dma_start3A_6 = arith.constant 0 : i32
    %dma_start3A_7 = tpu.memref_slice %arg2[%add3A_4, %dma_start3A_6] : memref<32768x4096xf32, #tpu.memory_space<hbm>> -> memref<2x4096xf32, #tpu.memory_space<hbm>>
    tpu.enqueue_dma source(%dma_start3A_7 : memref<2x4096xf32, #tpu.memory_space<hbm>>) target(%arg4 : memref<2x4096xf32, #tpu.memory_space<vmem>>) target_semaphore(%arg12 : memref<!tpu.dma_semaphore, #tpu.memory_space<semaphore_mem>>)
    %add3A_8 = arith.constant 2 : i32
    %add3A_9 = arith.addi %mul3A_2, %add3A_8 : i32
    %dma_start3A_10 = arith.constant 0 : i32
    %dma_start3A_11 = tpu.memref_slice %arg2[%add3A_9, %dma_start3A_10] : memref<32768x4096xf32, #tpu.memory_space<hbm>> -> memref<2x4096xf32, #tpu.memory_space<hbm>>
    %dma_start3A_12 = arith.constant 0 : i32
    %dma_start3A_13 = tpu.memref_slice %arg2[%add3A_9, %dma_start3A_12] : memref<32768x4096xf32, #tpu.memory_space<hbm>> -> memref<2x4096xf32, #tpu.memory_space<hbm>>
    tpu.enqueue_dma source(%dma_start3A_13 : memref<2x4096xf32, #tpu.memory_space<hbm>>) target(%arg5 : memref<2x4096xf32, #tpu.memory_space<vmem>>) target_semaphore(%arg13 : memref<!tpu.dma_semaphore, #tpu.memory_space<semaphore_mem>>)
    %add3A_14 = arith.constant 4 : i32
    %add3A_15 = arith.addi %mul3A_2, %add3A_14 : i32
    %dma_start3A_16 = arith.constant 0 : i32
    %dma_start3A_17 = tpu.memref_slice %arg2[%add3A_15, %dma_start3A_16] : memref<32768x4096xf32, #tpu.memory_space<hbm>> -> memref<2x4096xf32, #tpu.memory_space<hbm>>
    %dma_start3A_18 = arith.constant 0 : i32
    %dma_start3A_19 = tpu.memref_slice %arg2[%add3A_15, %dma_start3A_18] : memref<32768x4096xf32, #tpu.memory_space<hbm>> -> memref<2x4096xf32, #tpu.memory_space<hbm>>
    tpu.enqueue_dma source(%dma_start3A_19 : memref<2x4096xf32, #tpu.memory_space<hbm>>) target(%arg6 : memref<2x4096xf32, #tpu.memory_space<vmem>>) target_semaphore(%arg14 : memref<!tpu.dma_semaphore, #tpu.memory_space<semaphore_mem>>)
    %add3A_20 = arith.constant 6 : i32
    %add3A_21 = arith.addi %mul3A_2, %add3A_20 : i32
    %dma_start3A_22 = arith.constant 0 : i32
    %dma_start3A_23 = tpu.memref_slice %arg2[%add3A_21, %dma_start3A_22] : memref<32768x4096xf32, #tpu.memory_space<hbm>> -> memref<2x4096xf32, #tpu.memory_space<hbm>>
    %dma_start3A_24 = arith.constant 0 : i32
    %dma_start3A_25 = tpu.memref_slice %arg2[%add3A_21, %dma_start3A_24] : memref<32768x4096xf32, #tpu.memory_space<hbm>> -> memref<2x4096xf32, #tpu.memory_space<hbm>>
    tpu.enqueue_dma source(%dma_start3A_25 : memref<2x4096xf32, #tpu.memory_space<hbm>>) target(%arg7 : memref<2x4096xf32, #tpu.memory_space<vmem>>) target_semaphore(%arg15 : memref<!tpu.dma_semaphore, #tpu.memory_space<semaphore_mem>>)
    %scan3A = arith.constant 0 : i32
    %scan3A_26 = arith.constant 0 : i32
    %scan3A_27 = arith.constant 128 : i32
    %scan3A_28 = arith.addi %scan3A_26, %scan3A_27 : i32
    %scan3A_29 = arith.constant 1 : i32
    scf.for %scan3A_52 = %scan3A_26 to %scan3A_28 step %scan3A_29  : i32 {
      %mul3A_53 = arith.constant 4 : i32
      %mul3A_54 = arith.muli %scan3A_52, %mul3A_53 : i32
      %add3A_55 = arith.constant 0 : i32
      %add3A_56 = arith.addi %mul3A_54, %add3A_55 : i32
      %ge3A = arith.constant 1 : i32
      %ge3A_57 = arith.cmpi sge, %scan3A_52, %ge3A : i32
      %convert_element_type3A = arith.extui %ge3A_57 : i1 to i32
      %cond3A = arith.constant 0 : i32
      %cond3A_58 = arith.cmpi ne, %convert_element_type3A, %cond3A : i32
      scf.if %cond3A_58 {
        %mul3A_175 = arith.constant 4 : i32
        %mul3A_176 = arith.muli %scan3A_52, %mul3A_175 : i32
        %sub3A_177 = arith.constant 1 : i32
        %sub3A_178 = arith.subi %mul3A_176, %sub3A_177 : i32
        %mul3A_179 = arith.constant 2 : i32
        %mul3A_180 = arith.muli %sub3A_178, %mul3A_179 : i32
        %add3A_181 = arith.addi %mul3A_2, %mul3A_180 : i32
        %dma_start3A_182 = arith.constant 0 : i32
        %dma_start3A_183 = tpu.memref_slice %arg3[%add3A_181, %dma_start3A_182] : memref<32768x4096xf32, #tpu.memory_space<hbm>> -> memref<2x4096xf32, #tpu.memory_space<hbm>>
        %dma_start3A_184 = arith.constant 0 : i32
        %dma_start3A_185 = tpu.memref_slice %arg3[%add3A_181, %dma_start3A_184] : memref<32768x4096xf32, #tpu.memory_space<hbm>> -> memref<2x4096xf32, #tpu.memory_space<hbm>>
        tpu.enqueue_dma source(%arg11 : memref<2x4096xf32, #tpu.memory_space<vmem>>) target(%dma_start3A_185 : memref<2x4096xf32, #tpu.memory_space<hbm>>) target_semaphore(%arg19 : memref<!tpu.dma_semaphore, #tpu.memory_space<semaphore_mem>>)
      } else {
      }
      %dma_wait3A_59 = arith.constant 0 : i32
      %dma_wait3A_60 = tpu.memref_slice %arg2[%mul3A_2, %dma_wait3A_59] : memref<32768x4096xf32, #tpu.memory_space<hbm>> -> memref<2x4096xf32, #tpu.memory_space<hbm>>
      %dma_wait3A_61 = arith.constant 0 : i32
      %dma_wait3A_62 = tpu.memref_slice %arg2[%mul3A_2, %dma_wait3A_61] : memref<32768x4096xf32, #tpu.memory_space<hbm>> -> memref<2x4096xf32, #tpu.memory_space<hbm>>
      tpu.wait_dma2 semaphore(%arg12 : memref<!tpu.dma_semaphore, #tpu.memory_space<semaphore_mem>>) src(%dma_wait3A_62 : memref<2x4096xf32, #tpu.memory_space<hbm>>) dst(%arg4 : memref<2x4096xf32, #tpu.memory_space<vmem>>)
      %ge3A_63 = arith.constant 1 : i32
      %ge3A_64 = arith.cmpi sge, %scan3A_52, %ge3A_63 : i32
      %convert_element_type3A_65 = arith.extui %ge3A_64 : i1 to i32
      %cond3A_66 = arith.constant 0 : i32
      %cond3A_67 = arith.cmpi ne, %convert_element_type3A_65, %cond3A_66 : i32
      scf.if %cond3A_67 {
        %dma_wait3A_175 = arith.constant 0 : i32
        %dma_wait3A_176 = tpu.memref_slice %arg3[%mul3A_2, %dma_wait3A_175] : memref<32768x4096xf32, #tpu.memory_space<hbm>> -> memref<2x4096xf32, #tpu.memory_space<hbm>>
        %dma_wait3A_177 = arith.constant 0 : i32
        %dma_wait3A_178 = tpu.memref_slice %arg3[%mul3A_2, %dma_wait3A_177] : memref<32768x4096xf32, #tpu.memory_space<hbm>> -> memref<2x4096xf32, #tpu.memory_space<hbm>>
        tpu.wait_dma2 semaphore(%arg16 : memref<!tpu.dma_semaphore, #tpu.memory_space<semaphore_mem>>) src(%arg8 : memref<2x4096xf32, #tpu.memory_space<vmem>>) dst(%dma_wait3A_178 : memref<2x4096xf32, #tpu.memory_space<hbm>>)
      } else {
      }
      %parallel_loop3A = arith.constant 0 : i32
      %parallel_loop3A_68 = arith.constant 256 : i32
      %parallel_loop3A_69 = arith.constant 1 : i32
      scf.for %parallel_loop3A_175 = %parallel_loop3A to %parallel_loop3A_68 step %parallel_loop3A_69  : i32 {
        %parallel_loop3A_176 = arith.constant 16 : i32
        %parallel_loop3A_177 = arith.muli %parallel_loop3A_175, %parallel_loop3A_176 : i32
        %parallel_loop3A_178 = arith.constant 0 : i32
        %parallel_loop3A_179 = arith.index_cast %parallel_loop3A_178 : i32 to index
        %parallel_loop3A_180 = arith.index_cast %parallel_loop3A_177 : i32 to index
        %parallel_loop3A_181 = tpu.vector_load %arg4[%parallel_loop3A_179, %parallel_loop3A_180] {strides = array<i32>} : memref<2x4096xf32, #tpu.memory_space<vmem>>, vector<1x16xf32>,
        %parallel_loop3A_182 = vector.shape_cast %parallel_loop3A_181 : vector<1x16xf32> to vector<16xf32>
        %parallel_loop3A_183 = arith.constant 15 : i32
        %parallel_loop3A_184 = vector.broadcast %parallel_loop3A_183 : i32 to vector<16xi32>
        %parallel_loop3A_185 = tpu.iota {dimensions = array<i32: 0>} : vector<16xi32>
        %parallel_loop3A_186 = arith.subi %parallel_loop3A_184, %parallel_loop3A_185 : vector<16xi32>
        %parallel_loop3A_187 = tpu.dynamic_gather %parallel_loop3A_182[%parallel_loop3A_186] in [0] : vector<16xf32>, vector<16xi32> -> vector<16xf32>
        %parallel_loop3A_188 = arith.constant 16 : i32
        %parallel_loop3A_189 = arith.muli %parallel_loop3A_175, %parallel_loop3A_188 : i32
        %parallel_loop3A_190 = arith.constant 4080 : i32
        %parallel_loop3A_191 = arith.subi %parallel_loop3A_190, %parallel_loop3A_189 : i32
        %parallel_loop3A_192 = arith.constant 0 : i32
        %parallel_loop3A_193 = arith.index_cast %parallel_loop3A_192 : i32 to index
        %parallel_loop3A_194 = arith.index_cast %parallel_loop3A_191 : i32 to index
        %parallel_loop3A_195 = tpu.vector_load %arg8[%parallel_loop3A_193, %parallel_loop3A_194] {strides = array<i32>} : memref<2x4096xf32, #tpu.memory_space<vmem>>, vector<1x16xf32>,
        %parallel_loop3A_196 = vector.shape_cast %parallel_loop3A_195 : vector<1x16xf32> to vector<16xf32>
        %parallel_loop3A_197 = vector.shape_cast %parallel_loop3A_187 : vector<16xf32> to vector<1x16xf32>
        tpu.vector_store %arg8[%parallel_loop3A_193, %parallel_loop3A_194], %parallel_loop3A_197 {strides = array<i32>} : memref<2x4096xf32, #tpu.memory_space<vmem>>, vector<1x16xf32>,
      } {sc.loop_unroll_factor = 8 : i64, sc.parallel_access}
      %parallel_loop3A_70 = arith.constant 0 : i32
      %parallel_loop3A_71 = arith.constant 256 : i32
      %parallel_loop3A_72 = arith.constant 1 : i32
      scf.for %parallel_loop3A_175 = %parallel_loop3A_70 to %parallel_loop3A_71 step %parallel_loop3A_72  : i32 {
        %parallel_loop3A_176 = arith.constant 16 : i32
        %parallel_loop3A_177 = arith.muli %parallel_loop3A_175, %parallel_loop3A_176 : i32
        %parallel_loop3A_178 = arith.constant 1 : i32
        %parallel_loop3A_179 = arith.index_cast %parallel_loop3A_178 : i32 to index
        %parallel_loop3A_180 = arith.index_cast %parallel_loop3A_177 : i32 to index
        %parallel_loop3A_181 = tpu.vector_load %arg4[%parallel_loop3A_179, %parallel_loop3A_180] {strides = array<i32>} : memref<2x4096xf32, #tpu.memory_space<vmem>>, vector<1x16xf32>,
        %parallel_loop3A_182 = vector.shape_cast %parallel_loop3A_181 : vector<1x16xf32> to vector<16xf32>
        %parallel_loop3A_183 = arith.constant 15 : i32
        %parallel_loop3A_184 = vector.broadcast %parallel_loop3A_183 : i32 to vector<16xi32>
        %parallel_loop3A_185 = tpu.iota {dimensions = array<i32: 0>} : vector<16xi32>
        %parallel_loop3A_186 = arith.subi %parallel_loop3A_184, %parallel_loop3A_185 : vector<16xi32>
        %parallel_loop3A_187 = tpu.dynamic_gather %parallel_loop3A_182[%parallel_loop3A_186] in [0] : vector<16xf32>, vector<16xi32> -> vector<16xf32>
        %parallel_loop3A_188 = arith.constant 16 : i32
        %parallel_loop3A_189 = arith.muli %parallel_loop3A_175, %parallel_loop3A_188 : i32
        %parallel_loop3A_190 = arith.constant 4080 : i32
        %parallel_loop3A_191 = arith.subi %parallel_loop3A_190, %parallel_loop3A_189 : i32
        %parallel_loop3A_192 = arith.constant 1 : i32
        %parallel_loop3A_193 = arith.index_cast %parallel_loop3A_192 : i32 to index
        %parallel_loop3A_194 = arith.index_cast %parallel_loop3A_191 : i32 to index
        %parallel_loop3A_195 = tpu.vector_load %arg8[%parallel_loop3A_193, %parallel_loop3A_194] {strides = array<i32>} : memref<2x4096xf32, #tpu.memory_space<vmem>>, vector<1x16xf32>,
        %parallel_loop3A_196 = vector.shape_cast %parallel_loop3A_195 : vector<1x16xf32> to vector<16xf32>
        %parallel_loop3A_197 = vector.shape_cast %parallel_loop3A_187 : vector<16xf32> to vector<1x16xf32>
        tpu.vector_store %arg8[%parallel_loop3A_193, %parallel_loop3A_194], %parallel_loop3A_197 {strides = array<i32>} : memref<2x4096xf32, #tpu.memory_space<vmem>>, vector<1x16xf32>,
      } {sc.loop_unroll_factor = 8 : i64, sc.parallel_access}
      %le3A = arith.constant 126 : i32
      %le3A_73 = arith.cmpi sle, %scan3A_52, %le3A : i32
      %convert_element_type3A_74 = arith.extui %le3A_73 : i1 to i32
      %cond3A_75 = arith.constant 0 : i32
      %cond3A_76 = arith.cmpi ne, %convert_element_type3A_74, %cond3A_75 : i32
      scf.if %cond3A_76 {
        %add3A_175 = arith.constant 4 : i32
        %add3A_176 = arith.addi %add3A_56, %add3A_175 : i32
        %mul3A_177 = arith.constant 2 : i32
        %mul3A_178 = arith.muli %add3A_176, %mul3A_177 : i32
        %add3A_179 = arith.addi %mul3A_2, %mul3A_178 : i32
        %dma_start3A_180 = arith.constant 0 : i32
        %dma_start3A_181 = tpu.memref_slice %arg2[%add3A_179, %dma_start3A_180] : memref<32768x4096xf32, #tpu.memory_space<hbm>> -> memref<2x4096xf32, #tpu.memory_space<hbm>>
        %dma_start3A_182 = arith.constant 0 : i32
        %dma_start3A_183 = tpu.memref_slice %arg2[%add3A_179, %dma_start3A_182] : memref<32768x4096xf32, #tpu.memory_space<hbm>> -> memref<2x4096xf32, #tpu.memory_space<hbm>>
        tpu.enqueue_dma source(%dma_start3A_183 : memref<2x4096xf32, #tpu.memory_space<hbm>>) target(%arg4 : memref<2x4096xf32, #tpu.memory_space<vmem>>) target_semaphore(%arg12 : memref<!tpu.dma_semaphore, #tpu.memory_space<semaphore_mem>>)
      } else {
      }
      %mul3A_77 = arith.constant 4 : i32
      %mul3A_78 = arith.muli %scan3A_52, %mul3A_77 : i32
      %add3A_79 = arith.constant 1 : i32
      %add3A_80 = arith.addi %mul3A_78, %add3A_79 : i32
      %sub3A = arith.constant 1 : i32
      %sub3A_81 = arith.subi %add3A_80, %sub3A : i32
      %mul3A_82 = arith.constant 2 : i32
      %mul3A_83 = arith.muli %sub3A_81, %mul3A_82 : i32
      %add3A_84 = arith.addi %mul3A_2, %mul3A_83 : i32
      %dma_start3A_85 = arith.constant 0 : i32
      %dma_start3A_86 = tpu.memref_slice %arg3[%add3A_84, %dma_start3A_85] : memref<32768x4096xf32, #tpu.memory_space<hbm>> -> memref<2x4096xf32, #tpu.memory_space<hbm>>
      %dma_start3A_87 = arith.constant 0 : i32
      %dma_start3A_88 = tpu.memref_slice %arg3[%add3A_84, %dma_start3A_87] : memref<32768x4096xf32, #tpu.memory_space<hbm>> -> memref<2x4096xf32, #tpu.memory_space<hbm>>
      tpu.enqueue_dma source(%arg8 : memref<2x4096xf32, #tpu.memory_space<vmem>>) target(%dma_start3A_88 : memref<2x4096xf32, #tpu.memory_space<hbm>>) target_semaphore(%arg16 : memref<!tpu.dma_semaphore, #tpu.memory_space<semaphore_mem>>)
      %dma_wait3A_89 = arith.constant 0 : i32
      %dma_wait3A_90 = tpu.memref_slice %arg2[%mul3A_2, %dma_wait3A_89] : memref<32768x4096xf32, #tpu.memory_space<hbm>> -> memref<2x4096xf32, #tpu.memory_space<hbm>>
      %dma_wait3A_91 = arith.constant 0 : i32
      %dma_wait3A_92 = tpu.memref_slice %arg2[%mul3A_2, %dma_wait3A_91] : memref<32768x4096xf32, #tpu.memory_space<hbm>> -> memref<2x4096xf32, #tpu.memory_space<hbm>>
      tpu.wait_dma2 semaphore(%arg13 : memref<!tpu.dma_semaphore, #tpu.memory_space<semaphore_mem>>) src(%dma_wait3A_92 : memref<2x4096xf32, #tpu.memory_space<hbm>>) dst(%arg5 : memref<2x4096xf32, #tpu.memory_space<vmem>>)
      %ge3A_93 = arith.constant 1 : i32
      %ge3A_94 = arith.cmpi sge, %scan3A_52, %ge3A_93 : i32
      %convert_element_type3A_95 = arith.extui %ge3A_94 : i1 to i32
      %cond3A_96 = arith.constant 0 : i32
      %cond3A_97 = arith.cmpi ne, %convert_element_type3A_95, %cond3A_96 : i32
      scf.if %cond3A_97 {
        %dma_wait3A_175 = arith.constant 0 : i32
        %dma_wait3A_176 = tpu.memref_slice %arg3[%mul3A_2, %dma_wait3A_175] : memref<32768x4096xf32, #tpu.memory_space<hbm>> -> memref<2x4096xf32, #tpu.memory_space<hbm>>
        %dma_wait3A_177 = arith.constant 0 : i32
        %dma_wait3A_178 = tpu.memref_slice %arg3[%mul3A_2, %dma_wait3A_177] : memref<32768x4096xf32, #tpu.memory_space<hbm>> -> memref<2x4096xf32, #tpu.memory_space<hbm>>
        tpu.wait_dma2 semaphore(%arg17 : memref<!tpu.dma_semaphore, #tpu.memory_space<semaphore_mem>>) src(%arg9 : memref<2x4096xf32, #tpu.memory_space<vmem>>) dst(%dma_wait3A_178 : memref<2x4096xf32, #tpu.memory_space<hbm>>)
      } else {
      }
      %parallel_loop3A_98 = arith.constant 0 : i32
      %parallel_loop3A_99 = arith.constant 256 : i32
      %parallel_loop3A_100 = arith.constant 1 : i32
      scf.for %parallel_loop3A_175 = %parallel_loop3A_98 to %parallel_loop3A_99 step %parallel_loop3A_100  : i32 {
        %parallel_loop3A_176 = arith.constant 16 : i32
        %parallel_loop3A_177 = arith.muli %parallel_loop3A_175, %parallel_loop3A_176 : i32
        %parallel_loop3A_178 = arith.constant 0 : i32
        %parallel_loop3A_179 = arith.index_cast %parallel_loop3A_178 : i32 to index
        %parallel_loop3A_180 = arith.index_cast %parallel_loop3A_177 : i32 to index
        %parallel_loop3A_181 = tpu.vector_load %arg5[%parallel_loop3A_179, %parallel_loop3A_180] {strides = array<i32>} : memref<2x4096xf32, #tpu.memory_space<vmem>>, vector<1x16xf32>,
        %parallel_loop3A_182 = vector.shape_cast %parallel_loop3A_181 : vector<1x16xf32> to vector<16xf32>
        %parallel_loop3A_183 = arith.constant 15 : i32
        %parallel_loop3A_184 = vector.broadcast %parallel_loop3A_183 : i32 to vector<16xi32>
        %parallel_loop3A_185 = tpu.iota {dimensions = array<i32: 0>} : vector<16xi32>
        %parallel_loop3A_186 = arith.subi %parallel_loop3A_184, %parallel_loop3A_185 : vector<16xi32>
        %parallel_loop3A_187 = tpu.dynamic_gather %parallel_loop3A_182[%parallel_loop3A_186] in [0] : vector<16xf32>, vector<16xi32> -> vector<16xf32>
        %parallel_loop3A_188 = arith.constant 16 : i32
        %parallel_loop3A_189 = arith.muli %parallel_loop3A_175, %parallel_loop3A_188 : i32
        %parallel_loop3A_190 = arith.constant 4080 : i32
        %parallel_loop3A_191 = arith.subi %parallel_loop3A_190, %parallel_loop3A_189 : i32
        %parallel_loop3A_192 = arith.constant 0 : i32
        %parallel_loop3A_193 = arith.index_cast %parallel_loop3A_192 : i32 to index
        %parallel_loop3A_194 = arith.index_cast %parallel_loop3A_191 : i32 to index
        %parallel_loop3A_195 = tpu.vector_load %arg9[%parallel_loop3A_193, %parallel_loop3A_194] {strides = array<i32>} : memref<2x4096xf32, #tpu.memory_space<vmem>>, vector<1x16xf32>,
        %parallel_loop3A_196 = vector.shape_cast %parallel_loop3A_195 : vector<1x16xf32> to vector<16xf32>
        %parallel_loop3A_197 = vector.shape_cast %parallel_loop3A_187 : vector<16xf32> to vector<1x16xf32>
        tpu.vector_store %arg9[%parallel_loop3A_193, %parallel_loop3A_194], %parallel_loop3A_197 {strides = array<i32>} : memref<2x4096xf32, #tpu.memory_space<vmem>>, vector<1x16xf32>,
      } {sc.loop_unroll_factor = 8 : i64, sc.parallel_access}
      %parallel_loop3A_101 = arith.constant 0 : i32
      %parallel_loop3A_102 = arith.constant 256 : i32
      %parallel_loop3A_103 = arith.constant 1 : i32
      scf.for %parallel_loop3A_175 = %parallel_loop3A_101 to %parallel_loop3A_102 step %parallel_loop3A_103  : i32 {
        %parallel_loop3A_176 = arith.constant 16 : i32
        %parallel_loop3A_177 = arith.muli %parallel_loop3A_175, %parallel_loop3A_176 : i32
        %parallel_loop3A_178 = arith.constant 1 : i32
        %parallel_loop3A_179 = arith.index_cast %parallel_loop3A_178 : i32 to index
        %parallel_loop3A_180 = arith.index_cast %parallel_loop3A_177 : i32 to index
        %parallel_loop3A_181 = tpu.vector_load %arg5[%parallel_loop3A_179, %parallel_loop3A_180] {strides = array<i32>} : memref<2x4096xf32, #tpu.memory_space<vmem>>, vector<1x16xf32>,
        %parallel_loop3A_182 = vector.shape_cast %parallel_loop3A_181 : vector<1x16xf32> to vector<16xf32>
        %parallel_loop3A_183 = arith.constant 15 : i32
        %parallel_loop3A_184 = vector.broadcast %parallel_loop3A_183 : i32 to vector<16xi32>
        %parallel_loop3A_185 = tpu.iota {dimensions = array<i32: 0>} : vector<16xi32>
        %parallel_loop3A_186 = arith.subi %parallel_loop3A_184, %parallel_loop3A_185 : vector<16xi32>
        %parallel_loop3A_187 = tpu.dynamic_gather %parallel_loop3A_182[%parallel_loop3A_186] in [0] : vector<16xf32>, vector<16xi32> -> vector<16xf32>
        %parallel_loop3A_188 = arith.constant 16 : i32
        %parallel_loop3A_189 = arith.muli %parallel_loop3A_175, %parallel_loop3A_188 : i32
        %parallel_loop3A_190 = arith.constant 4080 : i32
        %parallel_loop3A_191 = arith.subi %parallel_loop3A_190, %parallel_loop3A_189 : i32
        %parallel_loop3A_192 = arith.constant 1 : i32
        %parallel_loop3A_193 = arith.index_cast %parallel_loop3A_192 : i32 to index
        %parallel_loop3A_194 = arith.index_cast %parallel_loop3A_191 : i32 to index
        %parallel_loop3A_195 = tpu.vector_load %arg9[%parallel_loop3A_193, %parallel_loop3A_194] {strides = array<i32>} : memref<2x4096xf32, #tpu.memory_space<vmem>>, vector<1x16xf32>,
        %parallel_loop3A_196 = vector.shape_cast %parallel_loop3A_195 : vector<1x16xf32> to vector<16xf32>
        %parallel_loop3A_197 = vector.shape_cast %parallel_loop3A_187 : vector<16xf32> to vector<1x16xf32>
        tpu.vector_store %arg9[%parallel_loop3A_193, %parallel_loop3A_194], %parallel_loop3A_197 {strides = array<i32>} : memref<2x4096xf32, #tpu.memory_space<vmem>>, vector<1x16xf32>,
      } {sc.loop_unroll_factor = 8 : i64, sc.parallel_access}
      %le3A_104 = arith.constant 126 : i32
      %le3A_105 = arith.cmpi sle, %scan3A_52, %le3A_104 : i32
      %convert_element_type3A_106 = arith.extui %le3A_105 : i1 to i32
      %cond3A_107 = arith.constant 0 : i32
      %cond3A_108 = arith.cmpi ne, %convert_element_type3A_106, %cond3A_107 : i32
      scf.if %cond3A_108 {
        %add3A_175 = arith.constant 4 : i32
        %add3A_176 = arith.addi %add3A_80, %add3A_175 : i32
        %mul3A_177 = arith.constant 2 : i32
        %mul3A_178 = arith.muli %add3A_176, %mul3A_177 : i32
        %add3A_179 = arith.addi %mul3A_2, %mul3A_178 : i32
        %dma_start3A_180 = arith.constant 0 : i32
        %dma_start3A_181 = tpu.memref_slice %arg2[%add3A_179, %dma_start3A_180] : memref<32768x4096xf32, #tpu.memory_space<hbm>> -> memref<2x4096xf32, #tpu.memory_space<hbm>>
        %dma_start3A_182 = arith.constant 0 : i32
        %dma_start3A_183 = tpu.memref_slice %arg2[%add3A_179, %dma_start3A_182] : memref<32768x4096xf32, #tpu.memory_space<hbm>> -> memref<2x4096xf32, #tpu.memory_space<hbm>>
        tpu.enqueue_dma source(%dma_start3A_183 : memref<2x4096xf32, #tpu.memory_space<hbm>>) target(%arg5 : memref<2x4096xf32, #tpu.memory_space<vmem>>) target_semaphore(%arg13 : memref<!tpu.dma_semaphore, #tpu.memory_space<semaphore_mem>>)
      } else {
      }
      %mul3A_109 = arith.constant 4 : i32
      %mul3A_110 = arith.muli %scan3A_52, %mul3A_109 : i32
      %add3A_111 = arith.constant 2 : i32
      %add3A_112 = arith.addi %mul3A_110, %add3A_111 : i32
      %sub3A_113 = arith.constant 1 : i32
      %sub3A_114 = arith.subi %add3A_112, %sub3A_113 : i32
      %mul3A_115 = arith.constant 2 : i32
      %mul3A_116 = arith.muli %sub3A_114, %mul3A_115 : i32
      %add3A_117 = arith.addi %mul3A_2, %mul3A_116 : i32
      %dma_start3A_118 = arith.constant 0 : i32
      %dma_start3A_119 = tpu.memref_slice %arg3[%add3A_117, %dma_start3A_118] : memref<32768x4096xf32, #tpu.memory_space<hbm>> -> memref<2x4096xf32, #tpu.memory_space<hbm>>
      %dma_start3A_120 = arith.constant 0 : i32
      %dma_start3A_121 = tpu.memref_slice %arg3[%add3A_117, %dma_start3A_120] : memref<32768x4096xf32, #tpu.memory_space<hbm>> -> memref<2x4096xf32, #tpu.memory_space<hbm>>
      tpu.enqueue_dma source(%arg9 : memref<2x4096xf32, #tpu.memory_space<vmem>>) target(%dma_start3A_121 : memref<2x4096xf32, #tpu.memory_space<hbm>>) target_semaphore(%arg17 : memref<!tpu.dma_semaphore, #tpu.memory_space<semaphore_mem>>)
      %dma_wait3A_122 = arith.constant 0 : i32
      %dma_wait3A_123 = tpu.memref_slice %arg2[%mul3A_2, %dma_wait3A_122] : memref<32768x4096xf32, #tpu.memory_space<hbm>> -> memref<2x4096xf32, #tpu.memory_space<hbm>>
      %dma_wait3A_124 = arith.constant 0 : i32
      %dma_wait3A_125 = tpu.memref_slice %arg2[%mul3A_2, %dma_wait3A_124] : memref<32768x4096xf32, #tpu.memory_space<hbm>> -> memref<2x4096xf32, #tpu.memory_space<hbm>>
      tpu.wait_dma2 semaphore(%arg14 : memref<!tpu.dma_semaphore, #tpu.memory_space<semaphore_mem>>) src(%dma_wait3A_125 : memref<2x4096xf32, #tpu.memory_space<hbm>>) dst(%arg6 : memref<2x4096xf32, #tpu.memory_space<vmem>>)
      %ge3A_126 = arith.constant 1 : i32
      %ge3A_127 = arith.cmpi sge, %scan3A_52, %ge3A_126 : i32
      %convert_element_type3A_128 = arith.extui %ge3A_127 : i1 to i32
      %cond3A_129 = arith.constant 0 : i32
      %cond3A_130 = arith.cmpi ne, %convert_element_type3A_128, %cond3A_129 : i32
      scf.if %cond3A_130 {
        %dma_wait3A_175 = arith.constant 0 : i32
        %dma_wait3A_176 = tpu.memref_slice %arg3[%mul3A_2, %dma_wait3A_175] : memref<32768x4096xf32, #tpu.memory_space<hbm>> -> memref<2x4096xf32, #tpu.memory_space<hbm>>
        %dma_wait3A_177 = arith.constant 0 : i32
        %dma_wait3A_178 = tpu.memref_slice %arg3[%mul3A_2, %dma_wait3A_177] : memref<32768x4096xf32, #tpu.memory_space<hbm>> -> memref<2x4096xf32, #tpu.memory_space<hbm>>
        tpu.wait_dma2 semaphore(%arg18 : memref<!tpu.dma_semaphore, #tpu.memory_space<semaphore_mem>>) src(%arg10 : memref<2x4096xf32, #tpu.memory_space<vmem>>) dst(%dma_wait3A_178 : memref<2x4096xf32, #tpu.memory_space<hbm>>)
      } else {
      }
      %parallel_loop3A_131 = arith.constant 0 : i32
      %parallel_loop3A_132 = arith.constant 256 : i32
      %parallel_loop3A_133 = arith.constant 1 : i32
      scf.for %parallel_loop3A_175 = %parallel_loop3A_131 to %parallel_loop3A_132 step %parallel_loop3A_133  : i32 {
        %parallel_loop3A_176 = arith.constant 16 : i32
        %parallel_loop3A_177 = arith.muli %parallel_loop3A_175, %parallel_loop3A_176 : i32
        %parallel_loop3A_178 = arith.constant 0 : i32
        %parallel_loop3A_179 = arith.index_cast %parallel_loop3A_178 : i32 to index
        %parallel_loop3A_180 = arith.index_cast %parallel_loop3A_177 : i32 to index
        %parallel_loop3A_181 = tpu.vector_load %arg6[%parallel_loop3A_179, %parallel_loop3A_180] {strides = array<i32>} : memref<2x4096xf32, #tpu.memory_space<vmem>>, vector<1x16xf32>,
        %parallel_loop3A_182 = vector.shape_cast %parallel_loop3A_181 : vector<1x16xf32> to vector<16xf32>
        %parallel_loop3A_183 = arith.constant 15 : i32
        %parallel_loop3A_184 = vector.broadcast %parallel_loop3A_183 : i32 to vector<16xi32>
        %parallel_loop3A_185 = tpu.iota {dimensions = array<i32: 0>} : vector<16xi32>
        %parallel_loop3A_186 = arith.subi %parallel_loop3A_184, %parallel_loop3A_185 : vector<16xi32>
        %parallel_loop3A_187 = tpu.dynamic_gather %parallel_loop3A_182[%parallel_loop3A_186] in [0] : vector<16xf32>, vector<16xi32> -> vector<16xf32>
        %parallel_loop3A_188 = arith.constant 16 : i32
        %parallel_loop3A_189 = arith.muli %parallel_loop3A_175, %parallel_loop3A_188 : i32
        %parallel_loop3A_190 = arith.constant 4080 : i32
        %parallel_loop3A_191 = arith.subi %parallel_loop3A_190, %parallel_loop3A_189 : i32
        %parallel_loop3A_192 = arith.constant 0 : i32
        %parallel_loop3A_193 = arith.index_cast %parallel_loop3A_192 : i32 to index
        %parallel_loop3A_194 = arith.index_cast %parallel_loop3A_191 : i32 to index
        %parallel_loop3A_195 = tpu.vector_load %arg10[%parallel_loop3A_193, %parallel_loop3A_194] {strides = array<i32>} : memref<2x4096xf32, #tpu.memory_space<vmem>>, vector<1x16xf32>,
        %parallel_loop3A_196 = vector.shape_cast %parallel_loop3A_195 : vector<1x16xf32> to vector<16xf32>
        %parallel_loop3A_197 = vector.shape_cast %parallel_loop3A_187 : vector<16xf32> to vector<1x16xf32>
        tpu.vector_store %arg10[%parallel_loop3A_193, %parallel_loop3A_194], %parallel_loop3A_197 {strides = array<i32>} : memref<2x4096xf32, #tpu.memory_space<vmem>>, vector<1x16xf32>,
      } {sc.loop_unroll_factor = 8 : i64, sc.parallel_access}
      %parallel_loop3A_134 = arith.constant 0 : i32
      %parallel_loop3A_135 = arith.constant 256 : i32
      %parallel_loop3A_136 = arith.constant 1 : i32
      scf.for %parallel_loop3A_175 = %parallel_loop3A_134 to %parallel_loop3A_135 step %parallel_loop3A_136  : i32 {
        %parallel_loop3A_176 = arith.constant 16 : i32
        %parallel_loop3A_177 = arith.muli %parallel_loop3A_175, %parallel_loop3A_176 : i32
        %parallel_loop3A_178 = arith.constant 1 : i32
        %parallel_loop3A_179 = arith.index_cast %parallel_loop3A_178 : i32 to index
        %parallel_loop3A_180 = arith.index_cast %parallel_loop3A_177 : i32 to index
        %parallel_loop3A_181 = tpu.vector_load %arg6[%parallel_loop3A_179, %parallel_loop3A_180] {strides = array<i32>} : memref<2x4096xf32, #tpu.memory_space<vmem>>, vector<1x16xf32>,
        %parallel_loop3A_182 = vector.shape_cast %parallel_loop3A_181 : vector<1x16xf32> to vector<16xf32>
        %parallel_loop3A_183 = arith.constant 15 : i32
        %parallel_loop3A_184 = vector.broadcast %parallel_loop3A_183 : i32 to vector<16xi32>
        %parallel_loop3A_185 = tpu.iota {dimensions = array<i32: 0>} : vector<16xi32>
        %parallel_loop3A_186 = arith.subi %parallel_loop3A_184, %parallel_loop3A_185 : vector<16xi32>
        %parallel_loop3A_187 = tpu.dynamic_gather %parallel_loop3A_182[%parallel_loop3A_186] in [0] : vector<16xf32>, vector<16xi32> -> vector<16xf32>
        %parallel_loop3A_188 = arith.constant 16 : i32
        %parallel_loop3A_189 = arith.muli %parallel_loop3A_175, %parallel_loop3A_188 : i32
        %parallel_loop3A_190 = arith.constant 4080 : i32
        %parallel_loop3A_191 = arith.subi %parallel_loop3A_190, %parallel_loop3A_189 : i32
        %parallel_loop3A_192 = arith.constant 1 : i32
        %parallel_loop3A_193 = arith.index_cast %parallel_loop3A_192 : i32 to index
        %parallel_loop3A_194 = arith.index_cast %parallel_loop3A_191 : i32 to index
        %parallel_loop3A_195 = tpu.vector_load %arg10[%parallel_loop3A_193, %parallel_loop3A_194] {strides = array<i32>} : memref<2x4096xf32, #tpu.memory_space<vmem>>, vector<1x16xf32>,
        %parallel_loop3A_196 = vector.shape_cast %parallel_loop3A_195 : vector<1x16xf32> to vector<16xf32>
        %parallel_loop3A_197 = vector.shape_cast %parallel_loop3A_187 : vector<16xf32> to vector<1x16xf32>
        tpu.vector_store %arg10[%parallel_loop3A_193, %parallel_loop3A_194], %parallel_loop3A_197 {strides = array<i32>} : memref<2x4096xf32, #tpu.memory_space<vmem>>, vector<1x16xf32>,
      } {sc.loop_unroll_factor = 8 : i64, sc.parallel_access}
      %le3A_137 = arith.constant 126 : i32
      %le3A_138 = arith.cmpi sle, %scan3A_52, %le3A_137 : i32
      %convert_element_type3A_139 = arith.extui %le3A_138 : i1 to i32
      %cond3A_140 = arith.constant 0 : i32
      %cond3A_141 = arith.cmpi ne, %convert_element_type3A_139, %cond3A_140 : i32
      scf.if %cond3A_141 {
        %add3A_175 = arith.constant 4 : i32
        %add3A_176 = arith.addi %add3A_112, %add3A_175 : i32
        %mul3A_177 = arith.constant 2 : i32
        %mul3A_178 = arith.muli %add3A_176, %mul3A_177 : i32
        %add3A_179 = arith.addi %mul3A_2, %mul3A_178 : i32
        %dma_start3A_180 = arith.constant 0 : i32
        %dma_start3A_181 = tpu.memref_slice %arg2[%add3A_179, %dma_start3A_180] : memref<32768x4096xf32, #tpu.memory_space<hbm>> -> memref<2x4096xf32, #tpu.memory_space<hbm>>
        %dma_start3A_182 = arith.constant 0 : i32
        %dma_start3A_183 = tpu.memref_slice %arg2[%add3A_179, %dma_start3A_182] : memref<32768x4096xf32, #tpu.memory_space<hbm>> -> memref<2x4096xf32, #tpu.memory_space<hbm>>
        tpu.enqueue_dma source(%dma_start3A_183 : memref<2x4096xf32, #tpu.memory_space<hbm>>) target(%arg6 : memref<2x4096xf32, #tpu.memory_space<vmem>>) target_semaphore(%arg14 : memref<!tpu.dma_semaphore, #tpu.memory_space<semaphore_mem>>)
      } else {
      }
      %mul3A_142 = arith.constant 4 : i32
      %mul3A_143 = arith.muli %scan3A_52, %mul3A_142 : i32
      %add3A_144 = arith.constant 3 : i32
      %add3A_145 = arith.addi %mul3A_143, %add3A_144 : i32
      %sub3A_146 = arith.constant 1 : i32
      %sub3A_147 = arith.subi %add3A_145, %sub3A_146 : i32
      %mul3A_148 = arith.constant 2 : i32
      %mul3A_149 = arith.muli %sub3A_147, %mul3A_148 : i32
      %add3A_150 = arith.addi %mul3A_2, %mul3A_149 : i32
      %dma_start3A_151 = arith.constant 0 : i32
      %dma_start3A_152 = tpu.memref_slice %arg3[%add3A_150, %dma_start3A_151] : memref<32768x4096xf32, #tpu.memory_space<hbm>> -> memref<2x4096xf32, #tpu.memory_space<hbm>>
      %dma_start3A_153 = arith.constant 0 : i32
      %dma_start3A_154 = tpu.memref_slice %arg3[%add3A_150, %dma_start3A_153] : memref<32768x4096xf32, #tpu.memory_space<hbm>> -> memref<2x4096xf32, #tpu.memory_space<hbm>>
      tpu.enqueue_dma source(%arg10 : memref<2x4096xf32, #tpu.memory_space<vmem>>) target(%dma_start3A_154 : memref<2x4096xf32, #tpu.memory_space<hbm>>) target_semaphore(%arg18 : memref<!tpu.dma_semaphore, #tpu.memory_space<semaphore_mem>>)
      %dma_wait3A_155 = arith.constant 0 : i32
      %dma_wait3A_156 = tpu.memref_slice %arg2[%mul3A_2, %dma_wait3A_155] : memref<32768x4096xf32, #tpu.memory_space<hbm>> -> memref<2x4096xf32, #tpu.memory_space<hbm>>
      %dma_wait3A_157 = arith.constant 0 : i32
      %dma_wait3A_158 = tpu.memref_slice %arg2[%mul3A_2, %dma_wait3A_157] : memref<32768x4096xf32, #tpu.memory_space<hbm>> -> memref<2x4096xf32, #tpu.memory_space<hbm>>
      tpu.wait_dma2 semaphore(%arg15 : memref<!tpu.dma_semaphore, #tpu.memory_space<semaphore_mem>>) src(%dma_wait3A_158 : memref<2x4096xf32, #tpu.memory_space<hbm>>) dst(%arg7 : memref<2x4096xf32, #tpu.memory_space<vmem>>)
      %ge3A_159 = arith.constant 1 : i32
      %ge3A_160 = arith.cmpi sge, %scan3A_52, %ge3A_159 : i32
      %convert_element_type3A_161 = arith.extui %ge3A_160 : i1 to i32
      %cond3A_162 = arith.constant 0 : i32
      %cond3A_163 = arith.cmpi ne, %convert_element_type3A_161, %cond3A_162 : i32
      scf.if %cond3A_163 {
        %dma_wait3A_175 = arith.constant 0 : i32
        %dma_wait3A_176 = tpu.memref_slice %arg3[%mul3A_2, %dma_wait3A_175] : memref<32768x4096xf32, #tpu.memory_space<hbm>> -> memref<2x4096xf32, #tpu.memory_space<hbm>>
        %dma_wait3A_177 = arith.constant 0 : i32
        %dma_wait3A_178 = tpu.memref_slice %arg3[%mul3A_2, %dma_wait3A_177] : memref<32768x4096xf32, #tpu.memory_space<hbm>> -> memref<2x4096xf32, #tpu.memory_space<hbm>>
        tpu.wait_dma2 semaphore(%arg19 : memref<!tpu.dma_semaphore, #tpu.memory_space<semaphore_mem>>) src(%arg11 : memref<2x4096xf32, #tpu.memory_space<vmem>>) dst(%dma_wait3A_178 : memref<2x4096xf32, #tpu.memory_space<hbm>>)
      } else {
      }
      %parallel_loop3A_164 = arith.constant 0 : i32
      %parallel_loop3A_165 = arith.constant 256 : i32
      %parallel_loop3A_166 = arith.constant 1 : i32
      scf.for %parallel_loop3A_175 = %parallel_loop3A_164 to %parallel_loop3A_165 step %parallel_loop3A_166  : i32 {
        %parallel_loop3A_176 = arith.constant 16 : i32
        %parallel_loop3A_177 = arith.muli %parallel_loop3A_175, %parallel_loop3A_176 : i32
        %parallel_loop3A_178 = arith.constant 0 : i32
        %parallel_loop3A_179 = arith.index_cast %parallel_loop3A_178 : i32 to index
        %parallel_loop3A_180 = arith.index_cast %parallel_loop3A_177 : i32 to index
        %parallel_loop3A_181 = tpu.vector_load %arg7[%parallel_loop3A_179, %parallel_loop3A_180] {strides = array<i32>} : memref<2x4096xf32, #tpu.memory_space<vmem>>, vector<1x16xf32>,
        %parallel_loop3A_182 = vector.shape_cast %parallel_loop3A_181 : vector<1x16xf32> to vector<16xf32>
        %parallel_loop3A_183 = arith.constant 15 : i32
        %parallel_loop3A_184 = vector.broadcast %parallel_loop3A_183 : i32 to vector<16xi32>
        %parallel_loop3A_185 = tpu.iota {dimensions = array<i32: 0>} : vector<16xi32>
        %parallel_loop3A_186 = arith.subi %parallel_loop3A_184, %parallel_loop3A_185 : vector<16xi32>
        %parallel_loop3A_187 = tpu.dynamic_gather %parallel_loop3A_182[%parallel_loop3A_186] in [0] : vector<16xf32>, vector<16xi32> -> vector<16xf32>
        %parallel_loop3A_188 = arith.constant 16 : i32
        %parallel_loop3A_189 = arith.muli %parallel_loop3A_175, %parallel_loop3A_188 : i32
        %parallel_loop3A_190 = arith.constant 4080 : i32
        %parallel_loop3A_191 = arith.subi %parallel_loop3A_190, %parallel_loop3A_189 : i32
        %parallel_loop3A_192 = arith.constant 0 : i32
        %parallel_loop3A_193 = arith.index_cast %parallel_loop3A_192 : i32 to index
        %parallel_loop3A_194 = arith.index_cast %parallel_loop3A_191 : i32 to index
        %parallel_loop3A_195 = tpu.vector_load %arg11[%parallel_loop3A_193, %parallel_loop3A_194] {strides = array<i32>} : memref<2x4096xf32, #tpu.memory_space<vmem>>, vector<1x16xf32>,
        %parallel_loop3A_196 = vector.shape_cast %parallel_loop3A_195 : vector<1x16xf32> to vector<16xf32>
        %parallel_loop3A_197 = vector.shape_cast %parallel_loop3A_187 : vector<16xf32> to vector<1x16xf32>
        tpu.vector_store %arg11[%parallel_loop3A_193, %parallel_loop3A_194], %parallel_loop3A_197 {strides = array<i32>} : memref<2x4096xf32, #tpu.memory_space<vmem>>, vector<1x16xf32>,
      } {sc.loop_unroll_factor = 8 : i64, sc.parallel_access}
      %parallel_loop3A_167 = arith.constant 0 : i32
      %parallel_loop3A_168 = arith.constant 256 : i32
      %parallel_loop3A_169 = arith.constant 1 : i32
      scf.for %parallel_loop3A_175 = %parallel_loop3A_167 to %parallel_loop3A_168 step %parallel_loop3A_169  : i32 {
        %parallel_loop3A_176 = arith.constant 16 : i32
        %parallel_loop3A_177 = arith.muli %parallel_loop3A_175, %parallel_loop3A_176 : i32
        %parallel_loop3A_178 = arith.constant 1 : i32
        %parallel_loop3A_179 = arith.index_cast %parallel_loop3A_178 : i32 to index
        %parallel_loop3A_180 = arith.index_cast %parallel_loop3A_177 : i32 to index
        %parallel_loop3A_181 = tpu.vector_load %arg7[%parallel_loop3A_179, %parallel_loop3A_180] {strides = array<i32>} : memref<2x4096xf32, #tpu.memory_space<vmem>>, vector<1x16xf32>,
        %parallel_loop3A_182 = vector.shape_cast %parallel_loop3A_181 : vector<1x16xf32> to vector<16xf32>
        %parallel_loop3A_183 = arith.constant 15 : i32
        %parallel_loop3A_184 = vector.broadcast %parallel_loop3A_183 : i32 to vector<16xi32>
        %parallel_loop3A_185 = tpu.iota {dimensions = array<i32: 0>} : vector<16xi32>
        %parallel_loop3A_186 = arith.subi %parallel_loop3A_184, %parallel_loop3A_185 : vector<16xi32>
        %parallel_loop3A_187 = tpu.dynamic_gather %parallel_loop3A_182[%parallel_loop3A_186] in [0] : vector<16xf32>, vector<16xi32> -> vector<16xf32>
        %parallel_loop3A_188 = arith.constant 16 : i32
        %parallel_loop3A_189 = arith.muli %parallel_loop3A_175, %parallel_loop3A_188 : i32
        %parallel_loop3A_190 = arith.constant 4080 : i32
        %parallel_loop3A_191 = arith.subi %parallel_loop3A_190, %parallel_loop3A_189 : i32
        %parallel_loop3A_192 = arith.constant 1 : i32
        %parallel_loop3A_193 = arith.index_cast %parallel_loop3A_192 : i32 to index
        %parallel_loop3A_194 = arith.index_cast %parallel_loop3A_191 : i32 to index
        %parallel_loop3A_195 = tpu.vector_load %arg11[%parallel_loop3A_193, %parallel_loop3A_194] {strides = array<i32>} : memref<2x4096xf32, #tpu.memory_space<vmem>>, vector<1x16xf32>,
        %parallel_loop3A_196 = vector.shape_cast %parallel_loop3A_195 : vector<1x16xf32> to vector<16xf32>
        %parallel_loop3A_197 = vector.shape_cast %parallel_loop3A_187 : vector<16xf32> to vector<1x16xf32>
        tpu.vector_store %arg11[%parallel_loop3A_193, %parallel_loop3A_194], %parallel_loop3A_197 {strides = array<i32>} : memref<2x4096xf32, #tpu.memory_space<vmem>>, vector<1x16xf32>,
      } {sc.loop_unroll_factor = 8 : i64, sc.parallel_access}
      %le3A_170 = arith.constant 126 : i32
      %le3A_171 = arith.cmpi sle, %scan3A_52, %le3A_170 : i32
      %convert_element_type3A_172 = arith.extui %le3A_171 : i1 to i32
      %cond3A_173 = arith.constant 0 : i32
      %cond3A_174 = arith.cmpi ne, %convert_element_type3A_172, %cond3A_173 : i32
      scf.if %cond3A_174 {
        %add3A_175 = arith.constant 4 : i32
        %add3A_176 = arith.addi %add3A_145, %add3A_175 : i32
        %mul3A_177 = arith.constant 2 : i32
        %mul3A_178 = arith.muli %add3A_176, %mul3A_177 : i32
        %add3A_179 = arith.addi %mul3A_2, %mul3A_178 : i32
        %dma_start3A_180 = arith.constant 0 : i32
        %dma_start3A_181 = tpu.memref_slice %arg2[%add3A_179, %dma_start3A_180] : memref<32768x4096xf32, #tpu.memory_space<hbm>> -> memref<2x4096xf32, #tpu.memory_space<hbm>>
        %dma_start3A_182 = arith.constant 0 : i32
        %dma_start3A_183 = tpu.memref_slice %arg2[%add3A_179, %dma_start3A_182] : memref<32768x4096xf32, #tpu.memory_space<hbm>> -> memref<2x4096xf32, #tpu.memory_space<hbm>>
        tpu.enqueue_dma source(%dma_start3A_183 : memref<2x4096xf32, #tpu.memory_space<hbm>>) target(%arg7 : memref<2x4096xf32, #tpu.memory_space<vmem>>) target_semaphore(%arg15 : memref<!tpu.dma_semaphore, #tpu.memory_space<semaphore_mem>>)
      } else {
      }
    }
    %scan3A_30 = arith.constant 128 : i32
    %add3A_31 = arith.constant 1022 : i32
    %add3A_32 = arith.addi %mul3A_2, %add3A_31 : i32
    %dma_start3A_33 = arith.constant 0 : i32
    %dma_start3A_34 = tpu.memref_slice %arg3[%add3A_32, %dma_start3A_33] : memref<32768x4096xf32, #tpu.memory_space<hbm>> -> memref<2x4096xf32, #tpu.memory_space<hbm>>
    %dma_start3A_35 = arith.constant 0 : i32
    %dma_start3A_36 = tpu.memref_slice %arg3[%add3A_32, %dma_start3A_35] : memref<32768x4096xf32, #tpu.memory_space<hbm>> -> memref<2x4096xf32, #tpu.memory_space<hbm>>
    tpu.enqueue_dma source(%arg11 : memref<2x4096xf32, #tpu.memory_space<vmem>>) target(%dma_start3A_36 : memref<2x4096xf32, #tpu.memory_space<hbm>>) target_semaphore(%arg19 : memref<!tpu.dma_semaphore, #tpu.memory_space<semaphore_mem>>)
    %dma_wait3A = arith.constant 0 : i32
    %dma_wait3A_37 = tpu.memref_slice %arg3[%mul3A_2, %dma_wait3A] : memref<32768x4096xf32, #tpu.memory_space<hbm>> -> memref<2x4096xf32, #tpu.memory_space<hbm>>
    %dma_wait3A_38 = arith.constant 0 : i32
    %dma_wait3A_39 = tpu.memref_slice %arg3[%mul3A_2, %dma_wait3A_38] : memref<32768x4096xf32, #tpu.memory_space<hbm>> -> memref<2x4096xf32, #tpu.memory_space<hbm>>
    tpu.wait_dma2 semaphore(%arg16 : memref<!tpu.dma_semaphore, #tpu.memory_space<semaphore_mem>>) src(%arg8 : memref<2x4096xf32, #tpu.memory_space<vmem>>) dst(%dma_wait3A_39 : memref<2x4096xf32, #tpu.memory_space<hbm>>)
    %dma_wait3A_40 = arith.constant 0 : i32
    %dma_wait3A_41 = tpu.memref_slice %arg3[%mul3A_2, %dma_wait3A_40] : memref<32768x4096xf32, #tpu.memory_space<hbm>> -> memref<2x4096xf32, #tpu.memory_space<hbm>>
    %dma_wait3A_42 = arith.constant 0 : i32
    %dma_wait3A_43 = tpu.memref_slice %arg3[%mul3A_2, %dma_wait3A_42] : memref<32768x4096xf32, #tpu.memory_space<hbm>> -> memref<2x4096xf32, #tpu.memory_space<hbm>>
    tpu.wait_dma2 semaphore(%arg17 : memref<!tpu.dma_semaphore, #tpu.memory_space<semaphore_mem>>) src(%arg9 : memref<2x4096xf32, #tpu.memory_space<vmem>>) dst(%dma_wait3A_43 : memref<2x4096xf32, #tpu.memory_space<hbm>>)
    %dma_wait3A_44 = arith.constant 0 : i32
    %dma_wait3A_45 = tpu.memref_slice %arg3[%mul3A_2, %dma_wait3A_44] : memref<32768x4096xf32, #tpu.memory_space<hbm>> -> memref<2x4096xf32, #tpu.memory_space<hbm>>
    %dma_wait3A_46 = arith.constant 0 : i32
    %dma_wait3A_47 = tpu.memref_slice %arg3[%mul3A_2, %dma_wait3A_46] : memref<32768x4096xf32, #tpu.memory_space<hbm>> -> memref<2x4096xf32, #tpu.memory_space<hbm>>
    tpu.wait_dma2 semaphore(%arg18 : memref<!tpu.dma_semaphore, #tpu.memory_space<semaphore_mem>>) src(%arg10 : memref<2x4096xf32, #tpu.memory_space<vmem>>) dst(%dma_wait3A_47 : memref<2x4096xf32, #tpu.memory_space<hbm>>)
    %dma_wait3A_48 = arith.constant 0 : i32
    %dma_wait3A_49 = tpu.memref_slice %arg3[%mul3A_2, %dma_wait3A_48] : memref<32768x4096xf32, #tpu.memory_space<hbm>> -> memref<2x4096xf32, #tpu.memory_space<hbm>>
    %dma_wait3A_50 = arith.constant 0 : i32
    %dma_wait3A_51 = tpu.memref_slice %arg3[%mul3A_2, %dma_wait3A_50] : memref<32768x4096xf32, #tpu.memory_space<hbm>> -> memref<2x4096xf32, #tpu.memory_space<hbm>>
    tpu.wait_dma2 semaphore(%arg19 : memref<!tpu.dma_semaphore, #tpu.memory_space<semaphore_mem>>) src(%arg11 : memref<2x4096xf32, #tpu.memory_space<vmem>>) dst(%dma_wait3A_51 : memref<2x4096xf32, #tpu.memory_space<hbm>>)
    return
  }
}

</mosaic_0001>

<sc_bundles>
// kernel: kernel.3.cloned.1.call-start
scs
__scs_entry_jumppad:
0x0: {  	(pc) =	sbr.rel $0x88, $3  }
0x1: {  	(tag) =	ssettag $0x0;
	lr =	simm.s32 $0x1  }
0x2: {  	[smem:$0x3FA0] =	sst lr;
	_ =	strace $0xD0000000  }
0x3: {  	_ = 	snop  }
0x4: {  	_ = 	snop  }
0x5: {  	_ = 	snop  }
0x6: {  	_ = 	snop  }
0x7: {  	_ = 	snop  }
__scs_overlays_trampoline_lowered:
0x8: {  	[smem:$0x3FAF] =	sst s0  }
0x9: {  	[smem:$0x3FB0] =	sst s1  }
0xa: {  	[smem:$0x3FB1] =	sst s2  }
0xb: {  	[smem:$0x3FB2] =	sst s3  }
0xc: {  	[smem:$0x3FB3] =	sst s4  }
0xd: {  	[smem:$0x3FB4] =	sst s5  }
0xe: {  	[smem:$0x3FB5] =	sst s6  }
0xf: {  	[smem:$0x3FB6] =	sst s7  }
0x10: {  	[smem:$0x3FB7] =	sst s8  }
0x11: {  	[smem:$0x3FB8] =	sst s9;
	s0 =	simm.s32 @!p0 $0x0  }
0x12: {  	s1 =	sld [smem:$0x3F9E];
	s0 =	simm.s32 @p0 $0x1  }
0x13: {  	[smem:$0x3FB9] =	sst s0;
	s0 =	simm.s32 @!p1 $0x0  }
0x14: {  	s2 =	sld [smem:$0x3F9D];
	s0 =	simm.s32 @p1 $0x1  }
0x15: {  	[smem:$0x3FBA] =	sst s0;
	s0 =	simm.s32 @!p2 $0x0  }
0x16: {  	s3 =	sld [smem:$0x3FDB];
	s0 =	simm.s32 @p2 $0x1  }
0x17: {  	s4 =	simm.s32 $0x1BF5;
	[smem:$0x3FBC] =	sst s0  }
0x18: {  	s0 =	sld [smem:$0x3F9F];
	_ =	swait.ge [sflag:s4], $0x0  }
0x19: {  	s7 =	sld [smem:$0x3FA0]  }
0x1a: {  	s8 =	sadd.s32 $0xFFFFE003, lr  }
0x1b: {  	s9 =	sadd.s32 $0xFFFFFEF7, lr;
	s5 =	simm.s32 $0xFFFFFFFF;
	p2 =	slt.u32 s8, $0xFFFFF086  }
0x1c: {  	p1 =	slt.u32 s9, $0xF7A;
	s5 =	simm.s32 @!p2 $0x0  }
0x1d: {  	s5 =	simm.s32 @p1 $0x1;
	p0 =	seq.s32 s7, s2  }
0x1e: {  	s7 =	smul.u32 @!p0 $0xF7A, s2;
	p2 =	seq.s32 @!p0 s5, $0x0  }
0x1f: {  	s9 =	smul.u32 $0xF7A, s1;
	s8 =	simm.s32 @!p0 $0x1BF5;
	p2 =	por !p2, p0  }
0x20: {  	[sflag:s8] =	ssyncset.s32 @!p0 $0xFFFFF086;
	s6 =	sadd.s32 @!p0 s3, s7;
	s7 =	simm.s32 @!p0 $0x108  }
0x21: {  	s3 =	sadd.s32 s3, s9;
	s6 =	sadd.s32 @!p0 $0x88, s6;
	s7 =	simm.s32 @p2 $0x1082  }
0x22: {  	[simem:s7], [sflag:s8] =	dma.local @!p0 [hbm:s6], $0xF7A  }
0x23: {  	s9 =	sor.u32 $0xD0000000, s2;
	s6 =	simm.s32 $0x108;
	_ =	swait.ge @!p0 [sflag:s8], $0x0  }
0x24: {  	s3 =	sadd.s32 $0x88, s3;
	s6 =	simm.s32 @!p1 $0x1082;
	[sflag:s4] =	ssyncset.s32 $0xFFFFF086  }
0x25: {  	[simem:s6], [sflag:s4] =	dma.local [hbm:s3], $0xF7A  }
0x26: {  	[smem:$0x3FA0] =	sst s1;
	(tag) =	ssettag s2;
	_ =	strace s9  }
0x27: {  	s1 =	sld [smem:$0x3FB0]  }
0x28: {  	s2 =	sld [smem:$0x3FB1]  }
0x29: {  	s4 =	sld [smem:$0x3FB3]  }
0x2a: {  	p0 =	seq.s32 s5, $0x0;
	s5 =	sld [smem:$0x3FB4]  }
0x2b: {  	s6 =	sld [smem:$0x3FB5]  }
0x2c: {  	s7 =	sld [smem:$0x3FB6]  }
0x2d: {  	s3 =	simm.s32 $0x108;
	s8 =	sld [smem:$0x3FB7]  }
0x2e: {  	s3 =	simm.s32 @!p0 $0x1082;
	s9 =	sld [smem:$0x3FB8]  }
0x2f: {  	lr =	sadd.s32 s0, s3;
	s0 =	sld [smem:$0x3FAF]  }
0x30: {  	s3 =	sld [smem:$0x3FB2]  }
0x31: {  	[smem:$0x3FBB] =	sst s10  }
0x32: {  	s10 =	sld [smem:$0x3FB9];
	_ =	sdelay $0x3  }
0x33: {  	p0 =	seq.s32 s10, $0x1;
	s10 =	sld [smem:$0x3FBB];
	_ =	sdelay $0x3  }
0x34: {  	[smem:$0x3FBB] =	sst s10  }
0x35: {  	s10 =	sld [smem:$0x3FBA];
	_ =	sdelay $0x3  }
0x36: {  	p1 =	seq.s32 s10, $0x1;
	s10 =	sld [smem:$0x3FBB];
	_ =	sdelay $0x3  }
0x37: {  	[smem:$0x3FBB] =	sst s10  }
0x38: {  	s10 =	sld [smem:$0x3FBC]  }
0x39: {  	_ = 	snop;
	(pc) =	sbr.ind lr, $3  }
0x3a: {  	_ = 	snop  }
0x3b: {  	_ = 	snop  }
0x3c: {  	p2 =	seq.s32 s10, $0x1;
	s10 =	sld [smem:$0x3FBB]  }
0x3d: {  	_ =	shalt  }
0x3e: {  	_ =	shalt  }
0x3f: {  	_ =	shalt  }
0x40: {  	_ =	shalt  }
0x41: {  	_ =	shalt  }
0x42: {  	_ =	shalt  }
0x43: {  	_ =	shalt  }
0x44: {  	_ =	shalt  }
0x45: {  	_ =	shalt  }
0x46: {  	_ =	shalt  }
0x47: {  	_ =	shalt  }
0x48: {  	_ =	shalt  }
0x49: {  	_ =	shalt  }
0x4a: {  	_ =	shalt  }
0x4b: {  	_ =	shalt  }
0x4c: {  	_ =	shalt  }
0x4d: {  	_ =	shalt  }
0x4e: {  	_ =	shalt  }
0x4f: {  	_ =	shalt  }
0x50: {  	_ =	shalt  }
0x51: {  	_ =	shalt  }
0x52: {  	_ =	shalt  }
0x53: {  	_ =	shalt  }
0x54: {  	_ =	shalt  }
0x55: {  	_ =	shalt  }
0x56: {  	_ =	shalt  }
0x57: {  	_ =	shalt  }
0x58: {  	_ =	shalt  }
0x59: {  	_ =	shalt  }
0x5a: {  	_ =	shalt  }
0x5b: {  	_ =	shalt  }
0x5c: {  	_ =	shalt  }
0x5d: {  	_ =	shalt  }
0x5e: {  	_ =	shalt  }
0x5f: {  	_ =	shalt  }
0x60: {  	_ =	shalt  }
0x61: {  	_ =	shalt  }
0x62: {  	_ =	shalt  }
0x63: {  	_ =	shalt  }
0x64: {  	_ =	shalt  }
0x65: {  	_ =	shalt  }
0x66: {  	_ =	shalt  }
0x67: {  	_ =	shalt  }
0x68: {  	_ =	shalt  }
0x69: {  	_ =	shalt  }
0x6a: {  	_ =	shalt  }
0x6b: {  	_ =	shalt  }
0x6c: {  	_ =	shalt  }
0x6d: {  	_ =	shalt  }
0x6e: {  	_ =	shalt  }
0x6f: {  	_ =	shalt  }
0x70: {  	_ =	shalt  }
0x71: {  	_ =	shalt  }
0x72: {  	_ =	shalt  }
0x73: {  	_ =	shalt  }
0x74: {  	_ =	shalt  }
0x75: {  	_ =	shalt  }
0x76: {  	_ =	shalt  }
0x77: {  	_ =	shalt  }
0x78: {  	_ =	shalt  }
0x79: {  	_ =	shalt  }
0x7a: {  	_ =	shalt  }
0x7b: {  	_ =	shalt  }
0x7c: {  	_ =	shalt  }
0x7d: {  	_ =	shalt  }
0x7e: {  	_ =	shalt  }
0x7f: {  	_ =	shalt  }
0x80: {  	_ =	shalt  }
0x81: {  	_ =	shalt  }
0x82: {  	_ =	shalt  }
0x83: {  	_ =	shalt  }
0x84: {  	_ =	shalt  }
0x85: {  	_ =	shalt  }
0x86: {  	_ =	shalt  }
0x87: {  	_ =	shalt  }
.Lfunc_end0:
.L_simem_size_0:
called_computation_lowered:
.L_overlay_start_0:
0x88: {  	s2 =	sld [smem:$0x3FD9]  }
0x89: {  	s3 =	sld [smem:$0x3FFE];
	_ =	sdelay $0x1  }
0x8a: {  	s1 =	srdreg.scid  }
0x8b: {  	s0 =	sand.u32 $0x1, s1  }
0x8c: {  	s18 =	sshll.u32 s0, $0xA;
	s2 =	sadd.s32 s3, s2  }
0x8d: {  	s2 =	sadd.s32 s2, s18  }
0x8e: {  	[smem:$0x3FC7] =	sst s2  }
0x8f: {  	_ = 	snop  }
0x90: {  	s2 =	sld [smem:$0x3FC9]  }
0x91: {  	s19 =	sld [smem:$0x3FD0];
	(tm) =	ssettm $0x1  }
0x92: {  	s4 =	sld [smem:$0x3FFB];
	_ =	sdelay $0x3  }
0x93: {  	_ =	strace s4  }
0x94: {  	s4 =	sld [smem:$0x3FFC];
	_ =	sdelay $0x3  }
0x95: {  	_ =	strace s4  }
0x96: {  	s4 =	sld [smem:$0x3FFD];
	_ =	sdelay $0x3  }
0x97: {  	_ =	strace s4  }
0x98: {  	_ =	strace $0x8FFFFFFF  }
0x99: {  	s20 =	sld [smem:$0x3FDB];
	_ =	sdelay $0x1  }
0x9a: {  	s5 =	simm.s32 $_scs_section_size  }
0x9b: {  	s6 =	simm.s32 $_size__tile_overlayer_lowered;
	s7 =	simm.s32 $_tile_overlayer_lowered  }
0x9c: {  	s23 =	simm.s32 $0x1BFF;
	s22 =	sshll.u32 s7, $0x1;
	s4 =	sadd.s32 s5, s20  }
0x9d: {  	s8 =	simm.s32 $0x0;
	s21 =	sshll.u32 s6, $0x1;
	s6 =	sadd.s32 s22, s4  }
0x9e: {  	[timem:s8], [sflag:s23] =	dma.local [hbm:s6], s21  }
0x9f: {  	_ =	swait.ge [sflag:s23], s21  }
0xa0: {  	s5 =	ssub.s32 $0x0, s21;
	[sflag:s23] =	ssyncset.done $0x0  }
0xa1: {  	[sflag:s23] =	ssyncadd.s32 s5;
	_ =	sdelay $0x1  }
0xa2: {  	s24 =	simm.s32 $0x1B8B  }
0xa3: {  	_ =	swait.ge [sflag:s24], $0x1  }
0xa4: {  	[sflag:s24] =	ssyncset.done $0x0  }
0xa5: {  	s25 =	simm.s32 $0x1B8E;
	[sflag:s24] =	ssyncadd.s32 $0xFFFFFFFF  }
0xa6: {  	s26 =	simm.s32 $execute0_lowered;
	[smem:$0x3FD2] =	sst s25  }
0xa7: {  	s5 =	sshll.u32 s26, $0x1;
	_ =	strace $0x80000046;
	[dreg:$0x1] =	wrdreg $0xFFFFFFFF  }
0xa8: {  	s28 =	simm.s32 $_size_execute0_lowered;
	s4 =	sadd.s32 s4, s5;
	[dreg:$0x0] =	wrdreg $0x0  }
0xa9: {  	s5 =	sshll.u32 s28, $0x1;
	[dreg:$0x2] =	wrdreg s4  }
0xaa: {  	[dreg:$0x3] =	wrdreg s5  }
0xab: {  	[dreg:$0x4] =	wrdreg $0xC0  }
0xac: {  	_ =	task [dreg:s8], $0x5FFFF  }
0xad: {  	[dreg:$0x1] =	wrdreg $0xFFFFFFFF  }
0xae: {  	[dreg:$0x0] =	wrdreg $0x60  }
0xaf: {  	[dreg:$0x2] =	wrdreg s2  }
0xb0: {  	[dreg:$0x3] =	wrdreg s19  }
0xb1: {  	[dreg:$0x4] =	wrdreg $0x9  }
0xb2: {  	_ =	task.clear_ibuf [dreg:s8], $0x5FFFF;
	_ =	strace $0x90000046  }
0xb3: {  	s29 =	simm.s32 $0x9;
	_ =	strace $0x80000048  }
0xb4: {  	_ =	swait.ge [sflag:s29], $0x1  }
0xb5: {  	[sflag:s29] =	ssyncadd.s32 $0xFFFFFFFF  }
0xb6: {  	_ =	strace $0x90000048  }
0xb7: {  	_ =	sfence  }
0xb8: {  	s30 =	sld [smem:$0x0];
	_ =	sdelay $0x2  }
0xb9: {  	s31 =	sshll.u32 s1, $0xD;
	s1 =	sshrl.u32 s1, $0x2  }
0xba: {  	s3 =	sand.u32 $0x4000, s31;
	s1 =	sadd.s32 s1, s30  }
0xbb: {  	s0 =	sor.u32 s3, s0;
	s1 =	sshll.u32 s1, $0x11  }
0xbc: {  	s0 =	sor.u32 s1, s0  }
0xbd: {  	s0 =	sadd.s32 $0x8F2B, s0  }
0xbe: {  	[sflag:s0] =	ssyncadd.remote.s32 $0x1  }
0xbf: {  	_ =	sfence.sel $0xFFFF  }
0xc0: {  	[dreg:$0x0] =	wrdreg $0xFFFFFFFF;
	(pc) =	sbr.abs _section_cstart, $3  }
0xc1: {  	[dreg:$0x1] =	wrdreg $0xFFFFFFFF  }
0xc2: {  	_ =	task.clear_ibuf [dreg:s8], $0x2FFFF;
	_ =	strace $0x9FFFFFFF  }
0xc3: {  	(tm) =	ssettm $0x7FFFFFFF  }
tec
execute0_lowered:
.L_overlay_start_1:
0x0: {  	(tag) =	ssettag $0x1  }
0x1: {  	s1 =	rddreg [dreg:$0x0]  }
0x2: {  	s3 =	rddreg [dreg:$0x1];
	s0 =	srdreg.scid  }
0x3: {  	s5 =	simm.s32 $0x0;
	s4 =	stileid.u32;
	s28 =	simm.s32 $0x2  }
0x4: {  	s29 =	simm.s32 $0xA000;
	s30 =	simm.s32 $0x3;
	s31 =	simm.s32 $0xC000  }
0x5: {  	s6 =	simm.s32 $0x0;
	s0 =	sand.u32 $0x1, s0;
	s4 =	sshll.u32 s4, $0xB  }
0x6: {  	[smem:$0x7FF] =	sst s5;
	s7 =	sadd.s32 $0x20, s1;
	s8 =	sadd.s32 $0x40, s1  }
0x7: {  	s11 =	sadd.s32 $0x60, s1;
	s2 =	ssub.s32 $0x2, s0;
	s0 =	sshll.u32 s0, $0xA  }
0x8: {  	s14 =	sadd.s32 $0x60, s3;
	s17 =	sadd.s32 $0x20, s3;
	s0 =	sor.u32 s0, s4  }
0x9: {  	s18 =	sadd.s32 $0x40, s3;
	s20 =	sshrl.u32 s2, $0x1;
	s5 =	sshll.u32 s0, $0x9  }
0xa: {  	_ =	strace $0x80000047;
	s2 =	ssub.s32 s2, s20;
	s21 =	sadd.s32 s1, s5  }
0xb: {  	s13 =	sadd.s32 $0xFFFF8, s0;
	s22 =	sadd.s32 s5, s7;
	[dreg:$0x3] =	wrdreg s21  }
0xc: {  	s15 =	sor.u32 $0x8, s0;
	s23 =	sadd.s32 s5, s8;
	[dreg:$0x4] =	wrdreg s22  }
.Ltmp0:
0xd: {  	s24 =	sadd.s32 s5, s11;
	[dreg:$0x5] =	wrdreg s23;
	(pc) =	sbr.rel .LBB2_1-.Ltmp0, $4  }
0xe: {  	v0 =	vlaneseq.u32;
	s25 =	sadd.s32 s5, s3;
	s26 =	smax.u32 s2, $0x1;
	[dreg:$0x6] =	wrdreg s24  }
0xf: {  	v0 =	vmul.u32 $0xFFFFFFFF, v0;
	s16 =	sshrl.u32 s0, $0x3;
	s0 =	sadd.s32 $0x7F060, s25;
	[dreg:$0x8] =	wrdreg s26  }
0x10: {  	s21 =	simm.s32 $0x100;
	s22 =	simm.s32 $0x400;
	s25 =	simm.s32 $0x6000  }
0x11: {  	v0 =	vadd.s32 $0xF, v0;
	s26 =	simm.s32 $0x8000;
	[dreg:$0x7] =	wrdreg s0;
	s0 =	simm.s32 $0x4  }
.LBB2_20:
0x12: {  	s2 =	rddreg [dreg:$0x7];
	s4 =	simm.s32 $0xE000;
	s12 =	simm.s32 $0x5  }
0x13: {  	[hbm4b:s2+s21] =	stream.strided.scatter [tilespmem:s4], [sflag:$0x8], $0x2000, s22, s21, $0x38;
	[tilespmem:$0x10000] =	vst v63  }
0x14: {  	_ =	swait.ge [sflag:s12], $0x2000  }
0x15: {  	[sflag:s12] =	ssyncset.done $0x0  }
0x16: {  	s19 =	simm.s32 $0x6;
	[sflag:s12] =	ssyncadd.s32 $0xFFFFE000  }
0x17: {  	_ =	swait.ge [sflag:s19], $0x2000  }
0x18: {  	[sflag:s19] =	ssyncset.done $0x0  }
0x19: {  	s20 =	simm.s32 $0x7;
	[sflag:s19] =	ssyncadd.s32 $0xFFFFE000  }
0x1a: {  	_ =	swait.ge [sflag:s20], $0x2000  }
0x1b: {  	[sflag:s20] =	ssyncset.done $0x0  }
0x1c: {  	s23 =	simm.s32 $0x8;
	[sflag:s20] =	ssyncadd.s32 $0xFFFFE000  }
0x1d: {  	_ =	swait.ge [sflag:s23], $0x2000  }
0x1e: {  	s6 =	sadd.s32 $0x1, s6;
	s24 =	rddreg [dreg:$0x8]  }
0x1f: {  	p0 =	sne.s32 s6, s24  }
.Ltmp1:
0x20: {  	_ = 	snop;
	(pc) =	sbr.rel @!p0 .LBB2_21-.Ltmp1, $3  }
0x21: {  	_ =	sdelay $0x1  }
0x22: {  	[sflag:s23] =	ssyncset.done $0x0  }
0x23: {  	[sflag:s23] =	ssyncadd.s32 $0xFFFFE000  }
.LBB2_1:
0x24: {  	s2 =	simm.s32 $0x0;
	s4 =	rddreg [dreg:$0x3]  }
0x25: {  	[tilespmem:s2], [sflag:$0x1] =	stream.strided.gather [hbm4b:s4+s21], $0x2000, s22, s21, $0x38;
	[tilespmem:$0x10000] =	vst v63  }
0x26: {  	s12 =	rddreg [dreg:$0x4];
	s19 =	simm.s32 $0x2000  }
0x27: {  	[tilespmem:s19], [sflag:$0x2] =	stream.strided.gather [hbm4b:s12+s21], $0x2000, s22, s21, $0x38;
	[tilespmem:$0x10000] =	vst v63  }
0x28: {  	s20 =	rddreg [dreg:$0x5];
	s23 =	simm.s32 $0x4000  }
0x29: {  	[tilespmem:s23], [sflag:$0x3] =	stream.strided.gather [hbm4b:s20+s21], $0x2000, s22, s21, $0x38;
	[tilespmem:$0x10000] =	vst v63  }
0x2a: {  	s24 =	rddreg [dreg:$0x6];
	s9 =	simm.s32 $0x0  }
0x2b: {  	[tilespmem:s25], [sflag:$0x4] =	stream.strided.gather [hbm4b:s24+s21], $0x2000, s22, s21, $0x38;
	[tilespmem:$0x10000] =	vst v63  }
.LBB2_2:
0x2c: {  	s10 =	sshll.u32 s9, $0x3;
	p0 =	seq.s32 s9, $0x0  }
0x2d: {  	s2 =	sadd.s32 @!p0 s10, s13  }
0x2e: {  	s2 =	sshll.u32 @!p0 s2, $0x9  }
0x2f: {  	s4 =	simm.s32 @!p0 $0x100;
	s2 =	sand.u32 @!p0 $0x1FFFF000, s2  }
0x30: {  	s12 =	simm.s32 @!p0 $0x400;
	s19 =	simm.s32 @!p0 $0xE000;
	s2 =	sadd.s32 @!p0 s2, s14  }
0x31: {  	[hbm4b:s2+s4] =	stream.strided.scatter @!p0 [tilespmem:s19], [sflag:$0x8], $0x2000, s12, s4, $0x38;
	[tilespmem:$0x10000] =	vst v63  }
0x32: {  	s2 =	simm.s32 @!p0 $0x1  }
0x33: {  	_ =	swait.ge @!p0 [sflag:s2], $0x2000  }
0x34: {  	s4 =	simm.s32 @!p0 $0x5;
	[sflag:s2] =	ssyncset.done @!p0 $0x0  }
0x35: {  	s4 =	simm.s32 @p0 $0x1;
	[sflag:s2] =	ssyncadd.s32 @!p0 $0xFFFFE000  }
0x36: {  	_ =	swait.ge [sflag:s4], $0x2000  }
0x37: {  	[sflag:s4] =	ssyncset.done $0x0  }
0x38: {  	s24 =	simm.s32 $0x40;
	[sflag:s4] =	ssyncadd.s32 $0xFFFFE000  }
0x39: {  	v4 =	vld [tilespmem:s24+$0x30]  }
0x3a: {  	v5 =	vld [tilespmem:s24+$0xFFFFFFD0]  }
0x3b: {  	v7 =	vld [tilespmem:s24+$0xFFFFFFE0]  }
0x3c: {  	v3 =	vld [tilespmem:s24+$0xFFFFFFF0]  }
0x3d: {  	v2 =	vld [tilespmem:s24+$0x0]  }
0x3e: {  	v1 =	vld [tilespmem:s24+$0x10];
	v8 =	vperm.xlane v4, v0  }
0x3f: {  	s20 =	simm.s32 $0x0;
	s4 =	simm.s32 $0x9F70;
	v4 =	vld [tilespmem:s24+$0x20];
	v6 =	vperm.xlane v5, v0  }
0x40: {  	s23 =	simm.s32 $0x140;
	s12 =	simm.s32 $0xF0;
	s19 =	simm.s32 $0x9FF0;
	v5 =	vld [tilespmem:s24+$0xFFFFFFC0];
	v7 =	vperm.xlane v7, v0;
	[tilespmem:s4+$0xFFFFFF90] =	vst v8  }
.LBB2_3:
0x41: {  	v8 =	vld [tilespmem:s23+$0x30];
	s20 =	sadd.s32 $0x8, s20;
	[tilespmem:s4+$0xFFFFFFF0] =	vst v6;
	v3 =	vperm.xlane v3, v0  }
0x42: {  	v6 =	vld [tilespmem:s23+$0xFFFFFFD0];
	p1 =	slt.u32 s20, $0xF8;
	[tilespmem:s4+$0xFFFFFFE0] =	vst v7;
	v2 =	vperm.xlane v2, v0  }
0x43: {  	v7 =	vld [tilespmem:s23+$0xFFFFFFE0];
	[tilespmem:s4+$0xFFFFFFD0] =	vst v3;
	v1 =	vperm.xlane v1, v0  }
.Ltmp2:
0x44: {  	v3 =	vld [tilespmem:s23+$0xFFFFFFF0];
	[tilespmem:s4+$0xFFFFFFC0] =	vst v2;
	v4 =	vperm.xlane v4, v0;
	(pc) =	sbr.rel @p1 .LBB2_3-.Ltmp2, $4  }
0x45: {  	v2 =	vld [tilespmem:s23+$0x0];
	v5 =	vperm.xlane v5, v0;
	[tilespmem:s4+$0xFFFFFFB0] =	vst v1  }
0x46: {  	v1 =	vld [tilespmem:s23+$0x10];
	v8 =	vperm.xlane v8, v0;
	[tilespmem:s4+$0xFFFFFFA0] =	vst v4  }
0x47: {  	v6 =	vperm.xlane v6, v0;
	v4 =	vld [tilespmem:s23+$0x20];
	[tilespmem:s4+$0x0] =	vst v5;
	s4 =	sadd.s32 $0xFFFFFF00, s4  }
0x48: {  	v5 =	vld [tilespmem:s23+$0xFFFFFFC0];
	v7 =	vperm.xlane v7, v0;
	[tilespmem:s4+$0xFFFFFF90] =	vst v8;
	s23 =	sadd.s32 $0x100, s23  }
0x49: {  	[tilespmem:s4+$0xFFFFFFF0] =	vst v6;
	v3 =	vperm.xlane v3, v0  }
0x4a: {  	[tilespmem:s4+$0xFFFFFFE0] =	vst v7;
	v2 =	vperm.xlane v2, v0  }
0x4b: {  	[tilespmem:s4+$0xFFFFFFD0] =	vst v3;
	v1 =	vperm.xlane v1, v0  }
0x4c: {  	[tilespmem:s4+$0xFFFFFFC0] =	vst v2;
	v2 =	vperm.xlane v4, v0  }
0x4d: {  	v3 =	vperm.xlane v5, v0;
	[tilespmem:s4+$0xFFFFFFB0] =	vst v1  }
0x4e: {  	[tilespmem:s4+$0xFFFFFFA0] =	vst v2  }
0x4f: {  	[tilespmem:s4+$0x0] =	vst v3  }
0x50: {  	v2 =	vld [tilespmem:s12+$0x0]  }
0x51: {  	v4 =	vld [tilespmem:s12+$0xFFFFFFA0]  }
0x52: {  	v7 =	vld [tilespmem:s12+$0xFFFFFFB0]  }
0x53: {  	v5 =	vld [tilespmem:s12+$0xFFFFFFC0]  }
0x54: {  	v3 =	vld [tilespmem:s12+$0xFFFFFFD0]  }
0x55: {  	v1 =	vld [tilespmem:s12+$0xFFFFFFE0];
	v8 =	vperm.xlane v2, v0  }
0x56: {  	v2 =	vld [tilespmem:s12+$0xFFFFFFF0];
	v6 =	vperm.xlane v4, v0  }
0x57: {  	s2 =	simm.s32 $0x1F0;
	s4 =	simm.s32 $0x0;
	v4 =	vld [tilespmem:s12+$0xFFFFFF90];
	v7 =	vperm.xlane v7, v0;
	[tilespmem:s19+$0xFFFFFF90] =	vst v8  }
.LBB2_5:
0x58: {  	v8 =	vld [tilespmem:s2+$0x0];
	s4 =	sadd.s32 $0x8, s4;
	[tilespmem:s19+$0xFFFFFFF0] =	vst v6;
	v5 =	vperm.xlane v5, v0  }
0x59: {  	v6 =	vld [tilespmem:s2+$0xFFFFFFA0];
	p1 =	slt.u32 s4, $0xF8;
	[tilespmem:s19+$0xFFFFFFE0] =	vst v7;
	v3 =	vperm.xlane v3, v0  }
0x5a: {  	v7 =	vld [tilespmem:s2+$0xFFFFFFB0];
	[tilespmem:s19+$0xFFFFFFD0] =	vst v5;
	v1 =	vperm.xlane v1, v0  }
.Ltmp3:
0x5b: {  	v5 =	vld [tilespmem:s2+$0xFFFFFFC0];
	[tilespmem:s19+$0xFFFFFFC0] =	vst v3;
	v2 =	vperm.xlane v2, v0;
	(pc) =	sbr.rel @p1 .LBB2_5-.Ltmp3, $4  }
0x5c: {  	v3 =	vld [tilespmem:s2+$0xFFFFFFD0];
	v4 =	vperm.xlane v4, v0;
	[tilespmem:s19+$0xFFFFFFB0] =	vst v1  }
0x5d: {  	v1 =	vld [tilespmem:s2+$0xFFFFFFE0];
	v8 =	vperm.xlane v8, v0;
	[tilespmem:s19+$0xFFFFFFA0] =	vst v2  }
0x5e: {  	v6 =	vperm.xlane v6, v0;
	v2 =	vld [tilespmem:s2+$0xFFFFFFF0];
	[tilespmem:s19+$0x0] =	vst v4;
	s19 =	sadd.s32 $0xFFFFFF00, s19  }
0x5f: {  	v4 =	vld [tilespmem:s2+$0xFFFFFF90];
	v7 =	vperm.xlane v7, v0;
	[tilespmem:s19+$0xFFFFFF90] =	vst v8;
	s2 =	sadd.s32 $0x100, s2  }
0x60: {  	[tilespmem:s19+$0xFFFFFFF0] =	vst v6;
	v5 =	vperm.xlane v5, v0  }
0x61: {  	[tilespmem:s19+$0xFFFFFFE0] =	vst v7;
	v3 =	vperm.xlane v3, v0  }
0x62: {  	[tilespmem:s19+$0xFFFFFFD0] =	vst v5;
	v1 =	vperm.xlane v1, v0  }
0x63: {  	p1 =	seq.s32 s9, $0x7F;
	[tilespmem:s19+$0xFFFFFFC0] =	vst v3;
	v2 =	vperm.xlane v2, v0  }
0x64: {  	s2 =	sadd.s32 @!p1 s10, s15;
	v3 =	vperm.xlane v4, v0;
	[tilespmem:s19+$0xFFFFFFB0] =	vst v1  }
0x65: {  	s23 =	sadd.s32 s16, s9;
	s4 =	simm.s32 @!p1 $0x100;
	s12 =	sshll.u32 @!p1 s2, $0x9;
	[tilespmem:s19+$0xFFFFFFA0] =	vst v2  }
0x66: {  	s20 =	simm.s32 @!p1 $0x0;
	s2 =	sadd.s32 @!p1 s1, s12;
	[tilespmem:s19+$0x0] =	vst v3;
	s19 =	simm.s32 @!p1 $0x400  }
0x67: {  	[tilespmem:s20], [sflag:$0x1] =	stream.strided.gather @!p1 [hbm4b:s2+s4], $0x2000, s19, s4, $0x38;
	[tilespmem:$0x10000] =	vst v63  }
0x68: {  	s2 =	sshll.u32 s23, $0xC  }
0x69: {  	s2 =	sadd.s32 s3, s2  }
0x6a: {  	[hbm4b:s2+s21] =	stream.strided.scatter [tilespmem:s26], [sflag:$0x5], $0x2000, s22, s21, $0x38;
	[tilespmem:$0x10000] =	vst v63  }
0x6b: {  	_ =	swait.ge [sflag:s28], $0x2000  }
0x6c: {  	[sflag:s28] =	ssyncset.done $0x0  }
0x6d: {  	s2 =	simm.s32 @!p0 $0x6;
	[sflag:s28] =	ssyncadd.s32 $0xFFFFE000  }
0x6e: {  	_ =	swait.ge @!p0 [sflag:s2], $0x2000  }
0x6f: {  	[sflag:s2] =	ssyncset.done @!p0 $0x0  }
0x70: {  	s24 =	simm.s32 $0x2040;
	[sflag:s2] =	ssyncadd.s32 @!p0 $0xFFFFE000  }
0x71: {  	v4 =	vld [tilespmem:s24+$0x30]  }
0x72: {  	v5 =	vld [tilespmem:s24+$0xFFFFFFD0]  }
0x73: {  	v7 =	vld [tilespmem:s24+$0xFFFFFFE0]  }
0x74: {  	v3 =	vld [tilespmem:s24+$0xFFFFFFF0]  }
0x75: {  	v2 =	vld [tilespmem:s24+$0x0]  }
0x76: {  	v1 =	vld [tilespmem:s24+$0x10];
	v8 =	vperm.xlane v4, v0  }
0x77: {  	s4 =	simm.s32 $0xBF70;
	s23 =	simm.s32 $0x0;
	v4 =	vld [tilespmem:s24+$0x20];
	v6 =	vperm.xlane v5, v0  }
0x78: {  	s20 =	simm.s32 $0x20F0;
	s19 =	simm.s32 $0xBFF0;
	v5 =	vld [tilespmem:s24+$0xFFFFFFC0];
	v7 =	vperm.xlane v7, v0;
	s24 =	simm.s32 $0x2140;
	[tilespmem:s4+$0xFFFFFF90] =	vst v8  }
.LBB2_7:
0x79: {  	v8 =	vld [tilespmem:s24+$0x30];
	s23 =	sadd.s32 $0x8, s23;
	[tilespmem:s4+$0xFFFFFFF0] =	vst v6;
	v3 =	vperm.xlane v3, v0  }
0x7a: {  	v6 =	vld [tilespmem:s24+$0xFFFFFFD0];
	p2 =	slt.u32 s23, $0xF8;
	[tilespmem:s4+$0xFFFFFFE0] =	vst v7;
	v2 =	vperm.xlane v2, v0  }
0x7b: {  	v7 =	vld [tilespmem:s24+$0xFFFFFFE0];
	[tilespmem:s4+$0xFFFFFFD0] =	vst v3;
	v1 =	vperm.xlane v1, v0  }
.Ltmp4:
0x7c: {  	v3 =	vld [tilespmem:s24+$0xFFFFFFF0];
	[tilespmem:s4+$0xFFFFFFC0] =	vst v2;
	v4 =	vperm.xlane v4, v0;
	(pc) =	sbr.rel @p2 .LBB2_7-.Ltmp4, $4  }
0x7d: {  	v2 =	vld [tilespmem:s24+$0x0];
	v5 =	vperm.xlane v5, v0;
	[tilespmem:s4+$0xFFFFFFB0] =	vst v1  }
0x7e: {  	v1 =	vld [tilespmem:s24+$0x10];
	v8 =	vperm.xlane v8, v0;
	[tilespmem:s4+$0xFFFFFFA0] =	vst v4  }
0x7f: {  	v6 =	vperm.xlane v6, v0;
	v4 =	vld [tilespmem:s24+$0x20];
	[tilespmem:s4+$0x0] =	vst v5;
	s4 =	sadd.s32 $0xFFFFFF00, s4  }
0x80: {  	v5 =	vld [tilespmem:s24+$0xFFFFFFC0];
	v7 =	vperm.xlane v7, v0;
	[tilespmem:s4+$0xFFFFFF90] =	vst v8;
	s24 =	sadd.s32 $0x100, s24  }
0x81: {  	[tilespmem:s4+$0xFFFFFFF0] =	vst v6;
	v3 =	vperm.xlane v3, v0  }
0x82: {  	[tilespmem:s4+$0xFFFFFFE0] =	vst v7;
	v2 =	vperm.xlane v2, v0  }
0x83: {  	[tilespmem:s4+$0xFFFFFFD0] =	vst v3;
	v1 =	vperm.xlane v1, v0  }
0x84: {  	[tilespmem:s4+$0xFFFFFFC0] =	vst v2;
	v2 =	vperm.xlane v4, v0  }
0x85: {  	v3 =	vperm.xlane v5, v0;
	[tilespmem:s4+$0xFFFFFFB0] =	vst v1  }
0x86: {  	[tilespmem:s4+$0xFFFFFFA0] =	vst v2  }
0x87: {  	[tilespmem:s4+$0x0] =	vst v3  }
0x88: {  	v3 =	vld [tilespmem:s20+$0x0]  }
0x89: {  	v5 =	vld [tilespmem:s20+$0xFFFFFFA0]  }
0x8a: {  	v7 =	vld [tilespmem:s20+$0xFFFFFFB0]  }
0x8b: {  	v4 =	vld [tilespmem:s20+$0xFFFFFFC0]  }
0x8c: {  	v2 =	vld [tilespmem:s20+$0xFFFFFFD0]  }
0x8d: {  	v1 =	vld [tilespmem:s20+$0xFFFFFFE0];
	v8 =	vperm.xlane v3, v0  }
0x8e: {  	v3 =	vld [tilespmem:s20+$0xFFFFFFF0];
	v6 =	vperm.xlane v5, v0  }
0x8f: {  	s2 =	simm.s32 $0x21F0;
	s4 =	simm.s32 $0x0;
	v5 =	vld [tilespmem:s20+$0xFFFFFF90];
	v7 =	vperm.xlane v7, v0;
	[tilespmem:s19+$0xFFFFFF90] =	vst v8  }
.LBB2_9:
0x90: {  	v8 =	vld [tilespmem:s2+$0x0];
	s4 =	sadd.s32 $0x8, s4;
	[tilespmem:s19+$0xFFFFFFF0] =	vst v6;
	v4 =	vperm.xlane v4, v0  }
0x91: {  	v6 =	vld [tilespmem:s2+$0xFFFFFFA0];
	p2 =	slt.u32 s4, $0xF8;
	[tilespmem:s19+$0xFFFFFFE0] =	vst v7;
	v2 =	vperm.xlane v2, v0  }
0x92: {  	v7 =	vld [tilespmem:s2+$0xFFFFFFB0];
	[tilespmem:s19+$0xFFFFFFD0] =	vst v4;
	v1 =	vperm.xlane v1, v0  }
.Ltmp5:
0x93: {  	v4 =	vld [tilespmem:s2+$0xFFFFFFC0];
	[tilespmem:s19+$0xFFFFFFC0] =	vst v2;
	v3 =	vperm.xlane v3, v0;
	(pc) =	sbr.rel @p2 .LBB2_9-.Ltmp5, $4  }
0x94: {  	v2 =	vld [tilespmem:s2+$0xFFFFFFD0];
	v5 =	vperm.xlane v5, v0;
	[tilespmem:s19+$0xFFFFFFB0] =	vst v1  }
0x95: {  	v1 =	vld [tilespmem:s2+$0xFFFFFFE0];
	v8 =	vperm.xlane v8, v0;
	[tilespmem:s19+$0xFFFFFFA0] =	vst v3  }
0x96: {  	v6 =	vperm.xlane v6, v0;
	v3 =	vld [tilespmem:s2+$0xFFFFFFF0];
	[tilespmem:s19+$0x0] =	vst v5;
	s19 =	sadd.s32 $0xFFFFFF00, s19  }
0x97: {  	v5 =	vld [tilespmem:s2+$0xFFFFFF90];
	v7 =	vperm.xlane v7, v0;
	[tilespmem:s19+$0xFFFFFF90] =	vst v8;
	s2 =	sadd.s32 $0x100, s2  }
0x98: {  	[tilespmem:s19+$0xFFFFFFF0] =	vst v6;
	v4 =	vperm.xlane v4, v0  }
0x99: {  	[tilespmem:s19+$0xFFFFFFE0] =	vst v7;
	v2 =	vperm.xlane v2, v0  }
0x9a: {  	[tilespmem:s19+$0xFFFFFFD0] =	vst v4;
	v1 =	vperm.xlane v1, v0  }
0x9b: {  	[tilespmem:s19+$0xFFFFFFC0] =	vst v2;
	v2 =	vperm.xlane v3, v0  }
0x9c: {  	v3 =	vperm.xlane v5, v0;
	[tilespmem:s19+$0xFFFFFFB0] =	vst v1  }
0x9d: {  	s12 =	sand.u32 @!p1 $0x1FFF000, s12;
	s4 =	simm.s32 @!p1 $0x100;
	[tilespmem:s19+$0xFFFFFFA0] =	vst v2  }
0x9e: {  	s20 =	simm.s32 @!p1 $0x2000;
	s2 =	sadd.s32 @!p1 s12, s7;
	[tilespmem:s19+$0x0] =	vst v3;
	s19 =	simm.s32 @!p1 $0x400  }
0x9f: {  	[tilespmem:s20], [sflag:$0x2] =	stream.strided.gather @!p1 [hbm4b:s2+s4], $0x2000, s19, s4, $0x38;
	[tilespmem:$0x10000] =	vst v63  }
0xa0: {  	s19 =	sshll.u32 s9, $0xC  }
0xa1: {  	s19 =	sadd.s32 s5, s19  }
0xa2: {  	s2 =	sadd.s32 s19, s17  }
0xa3: {  	[hbm4b:s2+s21] =	stream.strided.scatter [tilespmem:s29], [sflag:$0x6], $0x2000, s22, s21, $0x38;
	[tilespmem:$0x10000] =	vst v63  }
0xa4: {  	_ =	swait.ge [sflag:s30], $0x2000  }
0xa5: {  	[sflag:s30] =	ssyncset.done $0x0  }
0xa6: {  	s2 =	simm.s32 @!p0 $0x7;
	[sflag:s30] =	ssyncadd.s32 $0xFFFFE000  }
0xa7: {  	_ =	swait.ge @!p0 [sflag:s2], $0x2000  }
0xa8: {  	[sflag:s2] =	ssyncset.done @!p0 $0x0  }
0xa9: {  	s20 =	simm.s32 $0x4040;
	[sflag:s2] =	ssyncadd.s32 @!p0 $0xFFFFE000  }
0xaa: {  	v4 =	vld [tilespmem:s20+$0x30]  }
0xab: {  	v5 =	vld [tilespmem:s20+$0xFFFFFFD0]  }
0xac: {  	v7 =	vld [tilespmem:s20+$0xFFFFFFE0]  }
0xad: {  	v3 =	vld [tilespmem:s20+$0xFFFFFFF0]  }
0xae: {  	v2 =	vld [tilespmem:s20+$0x0]  }
0xaf: {  	v1 =	vld [tilespmem:s20+$0x10];
	v8 =	vperm.xlane v4, v0  }
0xb0: {  	s23 =	simm.s32 $0xDF70;
	s24 =	simm.s32 $0x0;
	v4 =	vld [tilespmem:s20+$0x20];
	v6 =	vperm.xlane v5, v0  }
0xb1: {  	s4 =	simm.s32 $0x40F0;
	s2 =	simm.s32 $0x4140;
	v5 =	vld [tilespmem:s20+$0xFFFFFFC0];
	v7 =	vperm.xlane v7, v0;
	s20 =	simm.s32 $0xDFF0;
	[tilespmem:s23+$0xFFFFFF90] =	vst v8  }
.LBB2_11:
0xb2: {  	v8 =	vld [tilespmem:s2+$0x30];
	s24 =	sadd.s32 $0x8, s24;
	[tilespmem:s23+$0xFFFFFFF0] =	vst v6;
	v3 =	vperm.xlane v3, v0  }
0xb3: {  	v6 =	vld [tilespmem:s2+$0xFFFFFFD0];
	p2 =	slt.u32 s24, $0xF8;
	[tilespmem:s23+$0xFFFFFFE0] =	vst v7;
	v2 =	vperm.xlane v2, v0  }
0xb4: {  	v7 =	vld [tilespmem:s2+$0xFFFFFFE0];
	[tilespmem:s23+$0xFFFFFFD0] =	vst v3;
	v1 =	vperm.xlane v1, v0  }
.Ltmp6:
0xb5: {  	v3 =	vld [tilespmem:s2+$0xFFFFFFF0];
	[tilespmem:s23+$0xFFFFFFC0] =	vst v2;
	v4 =	vperm.xlane v4, v0;
	(pc) =	sbr.rel @p2 .LBB2_11-.Ltmp6, $4  }
0xb6: {  	v2 =	vld [tilespmem:s2+$0x0];
	v5 =	vperm.xlane v5, v0;
	[tilespmem:s23+$0xFFFFFFB0] =	vst v1  }
0xb7: {  	v1 =	vld [tilespmem:s2+$0x10];
	v8 =	vperm.xlane v8, v0;
	[tilespmem:s23+$0xFFFFFFA0] =	vst v4  }
0xb8: {  	v6 =	vperm.xlane v6, v0;
	v4 =	vld [tilespmem:s2+$0x20];
	[tilespmem:s23+$0x0] =	vst v5;
	s23 =	sadd.s32 $0xFFFFFF00, s23  }
0xb9: {  	v5 =	vld [tilespmem:s2+$0xFFFFFFC0];
	v7 =	vperm.xlane v7, v0;
	[tilespmem:s23+$0xFFFFFF90] =	vst v8;
	s2 =	sadd.s32 $0x100, s2  }
0xba: {  	[tilespmem:s23+$0xFFFFFFF0] =	vst v6;
	v3 =	vperm.xlane v3, v0  }
0xbb: {  	[tilespmem:s23+$0xFFFFFFE0] =	vst v7;
	v2 =	vperm.xlane v2, v0  }
0xbc: {  	[tilespmem:s23+$0xFFFFFFD0] =	vst v3;
	v1 =	vperm.xlane v1, v0  }
0xbd: {  	[tilespmem:s23+$0xFFFFFFC0] =	vst v2;
	v2 =	vperm.xlane v4, v0  }
0xbe: {  	v3 =	vperm.xlane v5, v0;
	[tilespmem:s23+$0xFFFFFFB0] =	vst v1  }
0xbf: {  	[tilespmem:s23+$0xFFFFFFA0] =	vst v2  }
0xc0: {  	[tilespmem:s23+$0x0] =	vst v3  }
0xc1: {  	v3 =	vld [tilespmem:s4+$0x0]  }
0xc2: {  	v5 =	vld [tilespmem:s4+$0xFFFFFFA0]  }
0xc3: {  	v7 =	vld [tilespmem:s4+$0xFFFFFFB0]  }
0xc4: {  	v4 =	vld [tilespmem:s4+$0xFFFFFFC0]  }
0xc5: {  	v2 =	vld [tilespmem:s4+$0xFFFFFFD0]  }
0xc6: {  	v1 =	vld [tilespmem:s4+$0xFFFFFFE0];
	v8 =	vperm.xlane v3, v0  }
0xc7: {  	v3 =	vld [tilespmem:s4+$0xFFFFFFF0];
	v6 =	vperm.xlane v5, v0  }
0xc8: {  	s2 =	simm.s32 $0x41F0;
	s23 =	simm.s32 $0x0;
	v5 =	vld [tilespmem:s4+$0xFFFFFF90];
	v7 =	vperm.xlane v7, v0;
	[tilespmem:s20+$0xFFFFFF90] =	vst v8  }
.LBB2_13:
0xc9: {  	v8 =	vld [tilespmem:s2+$0x0];
	s23 =	sadd.s32 $0x8, s23;
	[tilespmem:s20+$0xFFFFFFF0] =	vst v6;
	v4 =	vperm.xlane v4, v0  }
0xca: {  	v6 =	vld [tilespmem:s2+$0xFFFFFFA0];
	p2 =	slt.u32 s23, $0xF8;
	[tilespmem:s20+$0xFFFFFFE0] =	vst v7;
	v2 =	vperm.xlane v2, v0  }
0xcb: {  	v7 =	vld [tilespmem:s2+$0xFFFFFFB0];
	[tilespmem:s20+$0xFFFFFFD0] =	vst v4;
	v1 =	vperm.xlane v1, v0  }
.Ltmp7:
0xcc: {  	v4 =	vld [tilespmem:s2+$0xFFFFFFC0];
	[tilespmem:s20+$0xFFFFFFC0] =	vst v2;
	v3 =	vperm.xlane v3, v0;
	(pc) =	sbr.rel @p2 .LBB2_13-.Ltmp7, $4  }
0xcd: {  	v2 =	vld [tilespmem:s2+$0xFFFFFFD0];
	v5 =	vperm.xlane v5, v0;
	[tilespmem:s20+$0xFFFFFFB0] =	vst v1  }
0xce: {  	v1 =	vld [tilespmem:s2+$0xFFFFFFE0];
	v8 =	vperm.xlane v8, v0;
	[tilespmem:s20+$0xFFFFFFA0] =	vst v3  }
0xcf: {  	v6 =	vperm.xlane v6, v0;
	v3 =	vld [tilespmem:s2+$0xFFFFFFF0];
	[tilespmem:s20+$0x0] =	vst v5;
	s20 =	sadd.s32 $0xFFFFFF00, s20  }
0xd0: {  	v5 =	vld [tilespmem:s2+$0xFFFFFF90];
	v7 =	vperm.xlane v7, v0;
	[tilespmem:s20+$0xFFFFFF90] =	vst v8;
	s2 =	sadd.s32 $0x100, s2  }
0xd1: {  	[tilespmem:s20+$0xFFFFFFF0] =	vst v6;
	v4 =	vperm.xlane v4, v0  }
0xd2: {  	[tilespmem:s20+$0xFFFFFFE0] =	vst v7;
	v2 =	vperm.xlane v2, v0  }
0xd3: {  	[tilespmem:s20+$0xFFFFFFD0] =	vst v4;
	v1 =	vperm.xlane v1, v0  }
0xd4: {  	[tilespmem:s20+$0xFFFFFFC0] =	vst v2;
	v2 =	vperm.xlane v3, v0  }
0xd5: {  	v3 =	vperm.xlane v5, v0;
	[tilespmem:s20+$0xFFFFFFB0] =	vst v1  }
0xd6: {  	s2 =	sadd.s32 @!p1 s12, s8;
	[tilespmem:s20+$0xFFFFFFA0] =	vst v2  }
0xd7: {  	s4 =	simm.s32 @!p1 $0x100;
	s12 =	simm.s32 @!p1 $0x400;
	[tilespmem:s20+$0x0] =	vst v3;
	s20 =	simm.s32 @!p1 $0x4000  }
0xd8: {  	[tilespmem:s20], [sflag:$0x3] =	stream.strided.gather @!p1 [hbm4b:s2+s4], $0x2000, s12, s4, $0x38;
	[tilespmem:$0x10000] =	vst v63  }
0xd9: {  	s23 =	sadd.s32 s19, s18  }
0xda: {  	[hbm4b:s23+s21] =	stream.strided.scatter [tilespmem:s31], [sflag:$0x7], $0x2000, s22, s21, $0x38;
	[tilespmem:$0x10000] =	vst v63  }
0xdb: {  	_ =	swait.ge [sflag:s0], $0x2000  }
0xdc: {  	[sflag:s0] =	ssyncset.done $0x0  }
0xdd: {  	s2 =	simm.s32 @!p0 $0x8;
	[sflag:s0] =	ssyncadd.s32 $0xFFFFE000  }
0xde: {  	_ =	swait.ge @!p0 [sflag:s2], $0x2000  }
0xdf: {  	[sflag:s2] =	ssyncset.done @!p0 $0x0  }
0xe0: {  	s24 =	simm.s32 $0x6040;
	[sflag:s2] =	ssyncadd.s32 @!p0 $0xFFFFE000  }
0xe1: {  	v4 =	vld [tilespmem:s24+$0x30]  }
0xe2: {  	v5 =	vld [tilespmem:s24+$0xFFFFFFD0]  }
0xe3: {  	v7 =	vld [tilespmem:s24+$0xFFFFFFE0]  }
0xe4: {  	v3 =	vld [tilespmem:s24+$0xFFFFFFF0]  }
0xe5: {  	v2 =	vld [tilespmem:s24+$0x0]  }
0xe6: {  	v1 =	vld [tilespmem:s24+$0x10];
	v8 =	vperm.xlane v4, v0  }
0xe7: {  	s19 =	simm.s32 $0xFF70;
	s20 =	simm.s32 $0x0;
	v4 =	vld [tilespmem:s24+$0x20];
	v6 =	vperm.xlane v5, v0  }
0xe8: {  	s4 =	simm.s32 $0x60F0;
	s12 =	simm.s32 $0xFFF0;
	s2 =	simm.s32 $0x6140;
	v5 =	vld [tilespmem:s24+$0xFFFFFFC0];
	v7 =	vperm.xlane v7, v0;
	[tilespmem:s19+$0xFFFFFF90] =	vst v8  }
.LBB2_15:
0xe9: {  	v8 =	vld [tilespmem:s2+$0x30];
	s20 =	sadd.s32 $0x8, s20;
	[tilespmem:s19+$0xFFFFFFF0] =	vst v6;
	v3 =	vperm.xlane v3, v0  }
0xea: {  	v6 =	vld [tilespmem:s2+$0xFFFFFFD0];
	p0 =	slt.u32 s20, $0xF8;
	[tilespmem:s19+$0xFFFFFFE0] =	vst v7;
	v2 =	vperm.xlane v2, v0  }
0xeb: {  	v7 =	vld [tilespmem:s2+$0xFFFFFFE0];
	[tilespmem:s19+$0xFFFFFFD0] =	vst v3;
	v1 =	vperm.xlane v1, v0  }
.Ltmp8:
0xec: {  	v3 =	vld [tilespmem:s2+$0xFFFFFFF0];
	[tilespmem:s19+$0xFFFFFFC0] =	vst v2;
	v4 =	vperm.xlane v4, v0;
	(pc) =	sbr.rel @p0 .LBB2_15-.Ltmp8, $4  }
0xed: {  	v2 =	vld [tilespmem:s2+$0x0];
	v5 =	vperm.xlane v5, v0;
	[tilespmem:s19+$0xFFFFFFB0] =	vst v1  }
0xee: {  	v1 =	vld [tilespmem:s2+$0x10];
	v8 =	vperm.xlane v8, v0;
	[tilespmem:s19+$0xFFFFFFA0] =	vst v4  }
0xef: {  	v6 =	vperm.xlane v6, v0;
	v4 =	vld [tilespmem:s2+$0x20];
	[tilespmem:s19+$0x0] =	vst v5;
	s19 =	sadd.s32 $0xFFFFFF00, s19  }
0xf0: {  	v5 =	vld [tilespmem:s2+$0xFFFFFFC0];
	v7 =	vperm.xlane v7, v0;
	[tilespmem:s19+$0xFFFFFF90] =	vst v8;
	s2 =	sadd.s32 $0x100, s2  }
0xf1: {  	[tilespmem:s19+$0xFFFFFFF0] =	vst v6;
	v3 =	vperm.xlane v3, v0  }
0xf2: {  	[tilespmem:s19+$0xFFFFFFE0] =	vst v7;
	v2 =	vperm.xlane v2, v0  }
0xf3: {  	[tilespmem:s19+$0xFFFFFFD0] =	vst v3;
	v1 =	vperm.xlane v1, v0  }
0xf4: {  	[tilespmem:s19+$0xFFFFFFC0] =	vst v2;
	v2 =	vperm.xlane v4, v0  }
0xf5: {  	v3 =	vperm.xlane v5, v0;
	[tilespmem:s19+$0xFFFFFFB0] =	vst v1  }
0xf6: {  	[tilespmem:s19+$0xFFFFFFA0] =	vst v2  }
0xf7: {  	[tilespmem:s19+$0x0] =	vst v3  }
0xf8: {  	v3 =	vld [tilespmem:s4+$0x0]  }
0xf9: {  	v5 =	vld [tilespmem:s4+$0xFFFFFFA0]  }
0xfa: {  	v7 =	vld [tilespmem:s4+$0xFFFFFFB0]  }
0xfb: {  	v4 =	vld [tilespmem:s4+$0xFFFFFFC0]  }
0xfc: {  	v2 =	vld [tilespmem:s4+$0xFFFFFFD0]  }
0xfd: {  	v1 =	vld [tilespmem:s4+$0xFFFFFFE0];
	v8 =	vperm.xlane v3, v0  }
0xfe: {  	v3 =	vld [tilespmem:s4+$0xFFFFFFF0];
	v6 =	vperm.xlane v5, v0  }
0xff: {  	s2 =	simm.s32 $0x61F0;
	s19 =	simm.s32 $0x0;
	v5 =	vld [tilespmem:s4+$0xFFFFFF90];
	v7 =	vperm.xlane v7, v0;
	[tilespmem:s12+$0xFFFFFF90] =	vst v8  }
.LBB2_17:
0x100: {  	v8 =	vld [tilespmem:s2+$0x0];
	s19 =	sadd.s32 $0x8, s19;
	[tilespmem:s12+$0xFFFFFFF0] =	vst v6;
	v4 =	vperm.xlane v4, v0  }
0x101: {  	v6 =	vld [tilespmem:s2+$0xFFFFFFA0];
	p0 =	slt.u32 s19, $0xF8;
	[tilespmem:s12+$0xFFFFFFE0] =	vst v7;
	v2 =	vperm.xlane v2, v0  }
0x102: {  	v7 =	vld [tilespmem:s2+$0xFFFFFFB0];
	[tilespmem:s12+$0xFFFFFFD0] =	vst v4;
	v1 =	vperm.xlane v1, v0  }
.Ltmp9:
0x103: {  	v4 =	vld [tilespmem:s2+$0xFFFFFFC0];
	[tilespmem:s12+$0xFFFFFFC0] =	vst v2;
	v3 =	vperm.xlane v3, v0;
	(pc) =	sbr.rel @p0 .LBB2_17-.Ltmp9, $4  }
0x104: {  	v2 =	vld [tilespmem:s2+$0xFFFFFFD0];
	v5 =	vperm.xlane v5, v0;
	[tilespmem:s12+$0xFFFFFFB0] =	vst v1  }
0x105: {  	v1 =	vld [tilespmem:s2+$0xFFFFFFE0];
	v8 =	vperm.xlane v8, v0;
	[tilespmem:s12+$0xFFFFFFA0] =	vst v3  }
0x106: {  	v6 =	vperm.xlane v6, v0;
	v3 =	vld [tilespmem:s2+$0xFFFFFFF0];
	[tilespmem:s12+$0x0] =	vst v5;
	s12 =	sadd.s32 $0xFFFFFF00, s12  }
0x107: {  	v5 =	vld [tilespmem:s2+$0xFFFFFF90];
	v7 =	vperm.xlane v7, v0;
	[tilespmem:s12+$0xFFFFFF90] =	vst v8;
	s2 =	sadd.s32 $0x100, s2  }
0x108: {  	[tilespmem:s12+$0xFFFFFFF0] =	vst v6;
	v4 =	vperm.xlane v4, v0  }
0x109: {  	[tilespmem:s12+$0xFFFFFFE0] =	vst v7;
	v2 =	vperm.xlane v2, v0  }
.Ltmp10:
0x10a: {  	[tilespmem:s12+$0xFFFFFFD0] =	vst v4;
	v1 =	vperm.xlane v1, v0;
	(pc) =	sbr.rel @p1 .LBB2_20-.Ltmp10, $4  }
0x10b: {  	[tilespmem:s12+$0xFFFFFFC0] =	vst v2;
	v2 =	vperm.xlane v3, v0  }
0x10c: {  	v3 =	vperm.xlane v5, v0;
	[tilespmem:s12+$0xFFFFFFB0] =	vst v1  }
0x10d: {  	[tilespmem:s12+$0xFFFFFFA0] =	vst v2  }
0x10e: {  	[tilespmem:s12+$0x0] =	vst v3  }
.Ltmp11:
0x10f: {  	s2 =	sadd.s32 s10, s15;
	(pc) =	sbr.rel .LBB2_2-.Ltmp11, $4  }
0x110: {  	s2 =	sshll.u32 s2, $0x9  }
0x111: {  	s2 =	sand.u32 $0x1FFF000, s2  }
0x112: {  	s9 =	sadd.s32 $0x1, s9;
	s2 =	sadd.s32 s2, s11  }
0x113: {  	[tilespmem:s25], [sflag:$0x4] =	stream.strided.gather [hbm4b:s2+s21], $0x2000, s22, s21, $0x38;
	[tilespmem:$0x10000] =	vst v63  }
.LBB2_21:
0x114: {  	_ =	sfence.sel $0x180000  }
0x115: {  	[bflag:$0x0] =	sbarrier.arrive $0xFFFF  }
0x116: {  	_ =	strace $0x90000047  }
0x117: {  	s0 =	stileid.u32;
	[bflag:$0x2] =	sbarrier.arrive $0xFFFF  }
0x118: {  	p0 =	sne.s32 s0, $0x0;
	s0 =	rddreg [dreg:$0x2]  }
0x119: {  	s0 =	sadd.s32 @!p0 $0x100000, s0  }
0x11a: {  	[sflag:s0] =	ssyncadd.tile.s32 @!p0 $0x1;
	_ =	shalt  }
.Lfunc_end2:
_tile_overlayer_lowered:
.L_overlay_start_2:
0x11b: {  	(tag) =	ssettag $0x2  }
0x11c: {  	s0 =	rddreg [dreg:$0x0];
	s2 =	stileid.u32  }
0x11d: {  	s1 =	rddreg [dreg:$0x1];
	p0 =	sne.s32 s2, $0x0  }
0x11e: {  	s3 =	rddreg [dreg:$0x2];
	[bflag:$0x3] =	sbarrier.arrive $0xFFFF;
	s2 =	simm.s32 @!p0 $0x1C09  }
0x11f: {  	[timem:s3], [sflag:s2] =	dma.local @!p0 [hbm:s0], s1  }
0x120: {  	s0 =	simm.s32 @!p0 $0x9  }
0x121: {  	_ =	swait.ge @!p0 [sflag:s0], s1  }
0x122: {  	s1 =	ssub.s32 @!p0 $0x0, s1;
	[sflag:s0] =	ssyncset.done @!p0 $0x0  }
0x123: {  	[sflag:s0] =	ssyncadd.s32 @!p0 s1  }
0x124: {  	[bflag:$0x3] =	sbarrier.arrive $0xFFFF  }
0x125: {  	_ =	shalt  }

</sc_bundles>
